<compile_context>
chip_gen: v7x
topology: tpu7x:2x2x1
jax: 0.10.2.dev20260603
libtpu: 0.0.44.dev20260713+nightly
codegen_flags: <defaults>
</compile_context>

<pallas_src>
import functools

import jax
import jax.numpy as jnp
from jax import lax
from jax.experimental import pallas as pl
from jax.experimental.pallas import tpu as pltpu
from jax.experimental.pallas import tpu_sc as plsc

N_NODES = 100000
N_EDGES = 6400000
NUM_WORKERS = 32
CHUNK = 3200
NCHUNKS = N_EDGES // CHUNK
TPW = 63
VSTEPS = CHUNK // 16

_MAGIC = 0x5F3759DF


def _dr_from_packed(s_pack, d_pack):
    s_bf = plsc.bitcast(s_pack, jnp.bfloat16)
    d_bf = plsc.bitcast(d_pack, jnp.bfloat16)
    diff = s_bf - d_bf
    diff2 = diff * diff
    da2, db2 = plsc.unpack(diff2, format=plsc.PackFormat.INTERLEAVED)
    d2 = da2 + db2
    i = plsc.bitcast(d2, jnp.int32)
    y = plsc.bitcast(jnp.int32(_MAGIC) - (i >> 1), jnp.float32)
    y = y * (jnp.float32(1.5) - jnp.float32(0.5) * d2 * y * y)
    return d2 * y


def _make_kernel():
    mesh = plsc.VectorSubcoreMesh(core_axis_name="c", subcore_axis_name="s")

    @functools.partial(
        pl.kernel,
        out_type=jax.ShapeDtypeStruct((N_EDGES,), jnp.float32),
        mesh=mesh,
        compiler_params=pltpu.CompilerParams(needs_layout_passes=False),
        scratch_types=[
            pltpu.VMEM((N_NODES,), jnp.int32),
            pltpu.VMEM((2, CHUNK), jnp.int32),
            pltpu.VMEM((2, CHUNK), jnp.int32),
            pltpu.VMEM((CHUNK,), jnp.float32),
            pltpu.VMEM((CHUNK,), jnp.float32),
            pltpu.SemaphoreType.DMA,
            pltpu.SemaphoreType.DMA,
            pltpu.SemaphoreType.DMA,
            pltpu.SemaphoreType.DMA,
            pltpu.SemaphoreType.DMA,
        ],
    )
    def edge_dr(table_hbm, ei_hbm, out_hbm, tab_v, ids_v0, ids_v1,
                out_v0, out_v1, isem0, isem1, osem0, osem1, tsem):
        wid = lax.axis_index("s") * 2 + lax.axis_index("c")
        ids = (ids_v0, ids_v1)
        outs = (out_v0, out_v1)
        isems = (isem0, isem1)
        osems = (osem0, osem1)

        def chunk_id(t):
            return wid + t * NUM_WORKERS

        has_last = wid < NCHUNKS - (TPW - 1) * NUM_WORKERS

        def in_copy(k, b):
            return pltpu.make_async_copy(
                ei_hbm.at[:, pl.ds(k * CHUNK, CHUNK)], ids[b], isems[b])

        def out_copy(k, b):
            return pltpu.make_async_copy(
                outs[b], out_hbm.at[pl.ds(k * CHUNK, CHUNK)], osems[b])

        def compute(b):
            iv, ov = ids[b], outs[b]

            @plsc.parallel_loop(0, VSTEPS, unroll=8)
            def _(j):
                o = j * 16
                s_pack = plsc.load_gather(tab_v, [iv[0, pl.ds(o, 16)]])
                d_pack = plsc.load_gather(tab_v, [iv[1, pl.ds(o, 16)]])
                ov[pl.ds(o, 16)] = _dr_from_packed(s_pack, d_pack)

        tab_cp = pltpu.make_async_copy(table_hbm, tab_v, tsem)
        tab_cp.start()
        in_copy(chunk_id(0), 0).start()
        tab_cp.wait()

        def pair_body(p, carry):
            for b in range(2):
                t = 2 * p + b

                @pl.when(jnp.logical_or(t + 1 < TPW - 1, has_last))
                def _():
                    in_copy(chunk_id(t + 1), 1 - b).start()

                in_copy(chunk_id(t), b).wait()

                @pl.when(t >= 2)
                def _():
                    out_copy(chunk_id(t - 2), b).wait()

                compute(b)
                out_copy(chunk_id(t), b).start()
            return carry

        lax.fori_loop(0, (TPW - 1) // 2, pair_body, 0)

        @pl.when(has_last)
        def _():
            in_copy(chunk_id(TPW - 1), 0).wait()
            out_copy(chunk_id(TPW - 3), 0).wait()
            compute(0)
            out_copy(chunk_id(TPW - 1), 0).start()

        @pl.when(jnp.logical_not(has_last))
        def _():
            out_copy(chunk_id(TPW - 3), 0).wait()

        out_copy(chunk_id(TPW - 2), 1).wait()

        @pl.when(has_last)
        def _():
            out_copy(chunk_id(TPW - 1), 0).wait()

    return edge_dr


_EDGE_DR = _make_kernel()


def kernel(center, edge_index):
    packed = lax.bitcast_convert_type(center.astype(jnp.bfloat16), jnp.int32)
    ei = edge_index.astype(jnp.int32)
    out = _EDGE_DR(packed, ei)
    return out.reshape(N_EDGES, 1)

# --- scband reference (transcript-rebuilt; emitter-appended) ---
"""Pipeline reference for scband-edgenet-49555332661332 (READ-ONLY COPY).

The authoritative reference and input builder live on the scoring server;
editing this copy changes nothing except your own understanding.
"""

import jax, jax.numpy as jnp
import numpy as np

N_NODES = 100000
N_EDGES = 6400000


def setup_inputs(seed: int = 0) -> dict:
    key = jax.random.key(seed)
    k1, k2 = jax.random.split(key)
    center = jax.random.normal(k1, (N_NODES, 2), dtype=jnp.float32)
    edge_index = jax.random.randint(k2, (2, N_EDGES), 0, N_NODES).astype(jnp.int64)
    return {"center": center, "edge_index": edge_index}


def reference(center, edge_index):
    # Gather per-edge src/dst node 'center' features (DGL edge-batch semantics):
    # x.src['center'] -> center[edge_index[0]], x.dst['center'] -> center[edge_index[1]]
    src = jnp.take(center, edge_index[0], axis=0)  # [E, 2]
    dst = jnp.take(center, edge_index[1], axis=0)  # [E, 2]
    # torch.hsplit(t, 2) on [E, 2] -> two [E, 1] columns (eta, phi)
    src_eta, src_phi = src[:, 0:1], src[:, 1:2]
    dst_eta, dst_phi = dst[:, 0:1], dst[:, 1:2]
    # torch.add(a, b, alpha=-1) == a - b
    deta2 = jnp.square(src_eta - dst_eta)
    dphi2 = jnp.square(src_phi - dst_phi)
    dR = jnp.sqrt(deta2 + dphi2)  # [E, 1]
    return dR

if __name__ == "__main__":
    import jax
    _d = setup_inputs()
    print(jax.jit(kernel)(*tuple(_d.values())))

</pallas_src>

<mosaic_0001>
#map = affine_map<(d0, d1) -> (0)>
#map1 = affine_map<(d0, d1) -> (0, 0)>
module attributes {stable_mosaic.version = 14 : i64} {
  func.func @edge_dr(%arg0: i32, %arg1: i32, %arg2: memref<100000xi32, #tpu.memory_space<hbm>>, %arg3: memref<2x6400000xi32, #tpu.memory_space<hbm>>, %arg4: memref<6400000xf32, #tpu.memory_space<hbm>>, %arg5: memref<100000xi32, #tpu.memory_space<vmem>>, %arg6: memref<2x3200xi32, #tpu.memory_space<vmem>>, %arg7: memref<2x3200xi32, #tpu.memory_space<vmem>>, %arg8: memref<3200xf32, #tpu.memory_space<vmem>>, %arg9: memref<3200xf32, #tpu.memory_space<vmem>>, %arg10: memref<!tpu.dma_semaphore, #tpu.memory_space<semaphore_mem>>, %arg11: memref<!tpu.dma_semaphore, #tpu.memory_space<semaphore_mem>>, %arg12: memref<!tpu.dma_semaphore, #tpu.memory_space<semaphore_mem>>, %arg13: memref<!tpu.dma_semaphore, #tpu.memory_space<semaphore_mem>>, %arg14: memref<!tpu.dma_semaphore, #tpu.memory_space<semaphore_mem>>) attributes {dimension_semantics = [#tpu.dimension_semantics<core_parallel>, #tpu.dimension_semantics<subcore_parallel>], iteration_bounds = array<i64: 2, 16>, scalar_prefetch = 0 : i64, scratch_operands = 10 : i64, tpu.core_type = #tpu.core_type<sc_vector_subcore>, window_params = [{transform_indices = #map}, {transform_indices = #map1}, {transform_indices = #map}]} {
    %mul3A = arith.constant 2 : i32
    %mul3A_0 = arith.muli %arg1, %mul3A : i32
    %add3A = arith.addi %mul3A_0, %arg0 : i32
    %lt3A = arith.constant 16 : i32
    %lt3A_1 = arith.cmpi slt, %add3A, %lt3A : i32
    tpu.enqueue_dma source(%arg2 : memref<100000xi32, #tpu.memory_space<hbm>>) target(%arg5 : memref<100000xi32, #tpu.memory_space<vmem>>) target_semaphore(%arg14 : memref<!tpu.dma_semaphore, #tpu.memory_space<semaphore_mem>>)
    %add3A_2 = arith.constant 0 : i32
    %add3A_3 = arith.addi %add3A, %add3A_2 : i32
    %mul3A_4 = arith.constant 3200 : i32
    %mul3A_5 = arith.muli %add3A_3, %mul3A_4 : i32
    %dma_start3A = arith.constant 0 : i32
    %dma_start3A_6 = tpu.memref_slice %arg3[%dma_start3A, %mul3A_5] : memref<2x6400000xi32, #tpu.memory_space<hbm>> -> memref<2x3200xi32, #tpu.memory_space<hbm>>
    %dma_start3A_7 = arith.constant 0 : i32
    %dma_start3A_8 = tpu.memref_slice %arg3[%dma_start3A_7, %mul3A_5] : memref<2x6400000xi32, #tpu.memory_space<hbm>> -> memref<2x3200xi32, #tpu.memory_space<hbm>>
    tpu.enqueue_dma source(%dma_start3A_8 : memref<2x3200xi32, #tpu.memory_space<hbm>>) target(%arg6 : memref<2x3200xi32, #tpu.memory_space<vmem>>) target_semaphore(%arg10 : memref<!tpu.dma_semaphore, #tpu.memory_space<semaphore_mem>>)
    tpu.wait_dma2 semaphore(%arg14 : memref<!tpu.dma_semaphore, #tpu.memory_space<semaphore_mem>>) src(%arg2 : memref<100000xi32, #tpu.memory_space<hbm>>) dst(%arg5 : memref<100000xi32, #tpu.memory_space<vmem>>)
    %scan3A = arith.constant 0 : i32
    %scan3A_9 = arith.constant 0 : i32
    %scan3A_10 = arith.constant 31 : i32
    %scan3A_11 = arith.addi %scan3A_9, %scan3A_10 : i32
    %scan3A_12 = arith.constant 1 : i32
    scf.for %scan3A_27 = %scan3A_9 to %scan3A_11 step %scan3A_12  : i32 {
      %mul3A_28 = arith.constant 2 : i32
      %mul3A_29 = arith.muli %mul3A_28, %scan3A_27 : i32
      %add3A_30 = arith.constant 0 : i32
      %add3A_31 = arith.addi %mul3A_29, %add3A_30 : i32
      %add3A_32 = arith.constant 1 : i32
      %add3A_33 = arith.addi %add3A_31, %add3A_32 : i32
      %lt3A_34 = arith.constant 62 : i32
      %lt3A_35 = arith.cmpi slt, %add3A_33, %lt3A_34 : i32
      %or3A = arith.ori %lt3A_35, %lt3A_1 : i1
      %convert_element_type3A_36 = arith.extui %or3A : i1 to i32
      %cond3A_37 = arith.constant 0 : i32
      %cond3A_38 = arith.cmpi ne, %convert_element_type3A_36, %cond3A_37 : i32
      scf.if %cond3A_38 {
        %add3A_97 = arith.constant 1 : i32
        %add3A_98 = arith.addi %add3A_31, %add3A_97 : i32
        %mul3A_99 = arith.constant 32 : i32
        %mul3A_100 = arith.muli %add3A_98, %mul3A_99 : i32
        %add3A_101 = arith.addi %add3A, %mul3A_100 : i32
        %mul3A_102 = arith.constant 3200 : i32
        %mul3A_103 = arith.muli %add3A_101, %mul3A_102 : i32
        %dma_start3A_104 = arith.constant 0 : i32
        %dma_start3A_105 = tpu.memref_slice %arg3[%dma_start3A_104, %mul3A_103] : memref<2x6400000xi32, #tpu.memory_space<hbm>> -> memref<2x3200xi32, #tpu.memory_space<hbm>>
        %dma_start3A_106 = arith.constant 0 : i32
        %dma_start3A_107 = tpu.memref_slice %arg3[%dma_start3A_106, %mul3A_103] : memref<2x6400000xi32, #tpu.memory_space<hbm>> -> memref<2x3200xi32, #tpu.memory_space<hbm>>
        tpu.enqueue_dma source(%dma_start3A_107 : memref<2x3200xi32, #tpu.memory_space<hbm>>) target(%arg7 : memref<2x3200xi32, #tpu.memory_space<vmem>>) target_semaphore(%arg11 : memref<!tpu.dma_semaphore, #tpu.memory_space<semaphore_mem>>)
      } else {
      }
      %mul3A_39 = arith.constant 32 : i32
      %mul3A_40 = arith.muli %add3A_31, %mul3A_39 : i32
      %add3A_41 = arith.addi %add3A, %mul3A_40 : i32
      %mul3A_42 = arith.constant 3200 : i32
      %mul3A_43 = arith.muli %add3A_41, %mul3A_42 : i32
      %dma_wait3A_44 = arith.constant 0 : i32
      %dma_wait3A_45 = tpu.memref_slice %arg3[%dma_wait3A_44, %mul3A_43] : memref<2x6400000xi32, #tpu.memory_space<hbm>> -> memref<2x3200xi32, #tpu.memory_space<hbm>>
      %dma_wait3A_46 = arith.constant 0 : i32
      %dma_wait3A_47 = tpu.memref_slice %arg3[%dma_wait3A_46, %mul3A_43] : memref<2x6400000xi32, #tpu.memory_space<hbm>> -> memref<2x3200xi32, #tpu.memory_space<hbm>>
      tpu.wait_dma2 semaphore(%arg10 : memref<!tpu.dma_semaphore, #tpu.memory_space<semaphore_mem>>) src(%dma_wait3A_47 : memref<2x3200xi32, #tpu.memory_space<hbm>>) dst(%arg6 : memref<2x3200xi32, #tpu.memory_space<vmem>>)
      %ge3A = arith.constant 2 : i32
      %ge3A_48 = arith.cmpi sge, %add3A_31, %ge3A : i32
      %convert_element_type3A_49 = arith.extui %ge3A_48 : i1 to i32
      %cond3A_50 = arith.constant 0 : i32
      %cond3A_51 = arith.cmpi ne, %convert_element_type3A_49, %cond3A_50 : i32
      scf.if %cond3A_51 {
        %sub3A = arith.constant 2 : i32
        %sub3A_97 = arith.subi %add3A_31, %sub3A : i32
        %mul3A_98 = arith.constant 32 : i32
        %mul3A_99 = arith.muli %sub3A_97, %mul3A_98 : i32
        %add3A_100 = arith.addi %add3A, %mul3A_99 : i32
        %mul3A_101 = arith.constant 3200 : i32
        %mul3A_102 = arith.muli %add3A_100, %mul3A_101 : i32
        %dma_wait3A_103 = tpu.memref_slice %arg4[%mul3A_102] : memref<6400000xf32, #tpu.memory_space<hbm>> -> memref<3200xf32, #tpu.memory_space<hbm>>
        %dma_wait3A_104 = tpu.memref_slice %arg4[%mul3A_102] : memref<6400000xf32, #tpu.memory_space<hbm>> -> memref<3200xf32, #tpu.memory_space<hbm>>
        tpu.wait_dma2 semaphore(%arg12 : memref<!tpu.dma_semaphore, #tpu.memory_space<semaphore_mem>>) src(%arg8 : memref<3200xf32, #tpu.memory_space<vmem>>) dst(%dma_wait3A_104 : memref<3200xf32, #tpu.memory_space<hbm>>)
      } else {
      }
      %parallel_loop3A = arith.constant 0 : i32
      %parallel_loop3A_52 = arith.constant 200 : i32
      %parallel_loop3A_53 = arith.constant 1 : i32
      scf.for %parallel_loop3A_97 = %parallel_loop3A to %parallel_loop3A_52 step %parallel_loop3A_53  : i32 {
        %parallel_loop3A_98 = arith.constant 16 : i32
        %parallel_loop3A_99 = arith.muli %parallel_loop3A_97, %parallel_loop3A_98 : i32
        %parallel_loop3A_100 = arith.constant 0 : i32
        %parallel_loop3A_101 = arith.index_cast %parallel_loop3A_100 : i32 to index
        %parallel_loop3A_102 = arith.index_cast %parallel_loop3A_99 : i32 to index
        %parallel_loop3A_103 = tpu.vector_load %arg6[%parallel_loop3A_101, %parallel_loop3A_102] {strides = array<i32>} : memref<2x3200xi32, #tpu.memory_space<vmem>>, vector<16xi32>,
        %parallel_loop3A_104 = tpu.vector_load_idx %arg5[%parallel_loop3A_103] : memref<100000xi32, #tpu.memory_space<vmem>>[vector<16xi32>], vector<16xi32>,
        %parallel_loop3A_105 = arith.constant 1 : i32
        %parallel_loop3A_106 = arith.index_cast %parallel_loop3A_105 : i32 to index
        %parallel_loop3A_107 = arith.index_cast %parallel_loop3A_99 : i32 to index
        %parallel_loop3A_108 = tpu.vector_load %arg6[%parallel_loop3A_106, %parallel_loop3A_107] {strides = array<i32>} : memref<2x3200xi32, #tpu.memory_space<vmem>>, vector<16xi32>,
        %parallel_loop3A_109 = tpu.vector_load_idx %arg5[%parallel_loop3A_108] : memref<100000xi32, #tpu.memory_space<vmem>>[vector<16xi32>], vector<16xi32>,
        %parallel_loop3A_110 = vector.bitcast %parallel_loop3A_104 : vector<16xi32> to vector<32xbf16>
        %parallel_loop3A_111 = vector.bitcast %parallel_loop3A_109 : vector<16xi32> to vector<32xbf16>
        %parallel_loop3A_112 = arith.subf %parallel_loop3A_110, %parallel_loop3A_111 : vector<32xbf16>
        %parallel_loop3A_113 = arith.mulf %parallel_loop3A_112, %parallel_loop3A_112 : vector<32xbf16>
        %parallel_loop3A_114 = tpu.unpack_subelements %parallel_loop3A_113, 0 {pack_format = #tpu.pack_format<interleaved>} : vector<32xbf16> -> vector<16xf32>
        %parallel_loop3A_115 = tpu.unpack_subelements %parallel_loop3A_113, 1 {pack_format = #tpu.pack_format<interleaved>} : vector<32xbf16> -> vector<16xf32>
        %parallel_loop3A_116 = arith.addf %parallel_loop3A_114, %parallel_loop3A_115 : vector<16xf32>
        %parallel_loop3A_117 = vector.bitcast %parallel_loop3A_116 : vector<16xf32> to vector<16xi32>
        %parallel_loop3A_118 = arith.constant 1 : i32
        %parallel_loop3A_119 = vector.broadcast %parallel_loop3A_118 : i32 to vector<16xi32>
        %parallel_loop3A_120 = arith.shrsi %parallel_loop3A_117, %parallel_loop3A_119 : vector<16xi32>
        %parallel_loop3A_121 = arith.constant 1597463007 : i32
        %parallel_loop3A_122 = vector.broadcast %parallel_loop3A_121 : i32 to vector<16xi32>
        %parallel_loop3A_123 = arith.subi %parallel_loop3A_122, %parallel_loop3A_120 : vector<16xi32>
        %parallel_loop3A_124 = vector.bitcast %parallel_loop3A_123 : vector<16xi32> to vector<16xf32>
        %parallel_loop3A_125 = arith.constant 5.000000e-01 : f32
        %parallel_loop3A_126 = vector.broadcast %parallel_loop3A_125 : f32 to vector<16xf32>
        %parallel_loop3A_127 = arith.mulf %parallel_loop3A_126, %parallel_loop3A_116 : vector<16xf32>
        %parallel_loop3A_128 = arith.mulf %parallel_loop3A_127, %parallel_loop3A_124 : vector<16xf32>
        %parallel_loop3A_129 = arith.mulf %parallel_loop3A_128, %parallel_loop3A_124 : vector<16xf32>
        %parallel_loop3A_130 = arith.constant 1.500000e+00 : f32
        %parallel_loop3A_131 = vector.broadcast %parallel_loop3A_130 : f32 to vector<16xf32>
        %parallel_loop3A_132 = arith.subf %parallel_loop3A_131, %parallel_loop3A_129 : vector<16xf32>
        %parallel_loop3A_133 = arith.mulf %parallel_loop3A_124, %parallel_loop3A_132 : vector<16xf32>
        %parallel_loop3A_134 = arith.mulf %parallel_loop3A_116, %parallel_loop3A_133 : vector<16xf32>
        %parallel_loop3A_135 = arith.index_cast %parallel_loop3A_99 : i32 to index
        %parallel_loop3A_136 = tpu.vector_load %arg8[%parallel_loop3A_135] {strides = array<i32>} : memref<3200xf32, #tpu.memory_space<vmem>>, vector<16xf32>,
        tpu.vector_store %arg8[%parallel_loop3A_135], %parallel_loop3A_134 {strides = array<i32>} : memref<3200xf32, #tpu.memory_space<vmem>>, vector<16xf32>,
      } {sc.loop_unroll_factor = 8 : i64, sc.parallel_access}
      %mul3A_54 = arith.constant 32 : i32
      %mul3A_55 = arith.muli %add3A_31, %mul3A_54 : i32
      %add3A_56 = arith.addi %add3A, %mul3A_55 : i32
      %mul3A_57 = arith.constant 3200 : i32
      %mul3A_58 = arith.muli %add3A_56, %mul3A_57 : i32
      %dma_start3A_59 = tpu.memref_slice %arg4[%mul3A_58] : memref<6400000xf32, #tpu.memory_space<hbm>> -> memref<3200xf32, #tpu.memory_space<hbm>>
      %dma_start3A_60 = tpu.memref_slice %arg4[%mul3A_58] : memref<6400000xf32, #tpu.memory_space<hbm>> -> memref<3200xf32, #tpu.memory_space<hbm>>
      tpu.enqueue_dma source(%arg8 : memref<3200xf32, #tpu.memory_space<vmem>>) target(%dma_start3A_60 : memref<3200xf32, #tpu.memory_space<hbm>>) target_semaphore(%arg12 : memref<!tpu.dma_semaphore, #tpu.memory_space<semaphore_mem>>)
      %mul3A_61 = arith.constant 2 : i32
      %mul3A_62 = arith.muli %mul3A_61, %scan3A_27 : i32
      %add3A_63 = arith.constant 1 : i32
      %add3A_64 = arith.addi %mul3A_62, %add3A_63 : i32
      %add3A_65 = arith.constant 1 : i32
      %add3A_66 = arith.addi %add3A_64, %add3A_65 : i32
      %lt3A_67 = arith.constant 62 : i32
      %lt3A_68 = arith.cmpi slt, %add3A_66, %lt3A_67 : i32
      %or3A_69 = arith.ori %lt3A_68, %lt3A_1 : i1
      %convert_element_type3A_70 = arith.extui %or3A_69 : i1 to i32
      %cond3A_71 = arith.constant 0 : i32
      %cond3A_72 = arith.cmpi ne, %convert_element_type3A_70, %cond3A_71 : i32
      scf.if %cond3A_72 {
        %add3A_97 = arith.constant 1 : i32
        %add3A_98 = arith.addi %add3A_64, %add3A_97 : i32
        %mul3A_99 = arith.constant 32 : i32
        %mul3A_100 = arith.muli %add3A_98, %mul3A_99 : i32
        %add3A_101 = arith.addi %add3A, %mul3A_100 : i32
        %mul3A_102 = arith.constant 3200 : i32
        %mul3A_103 = arith.muli %add3A_101, %mul3A_102 : i32
        %dma_start3A_104 = arith.constant 0 : i32
        %dma_start3A_105 = tpu.memref_slice %arg3[%dma_start3A_104, %mul3A_103] : memref<2x6400000xi32, #tpu.memory_space<hbm>> -> memref<2x3200xi32, #tpu.memory_space<hbm>>
        %dma_start3A_106 = arith.constant 0 : i32
        %dma_start3A_107 = tpu.memref_slice %arg3[%dma_start3A_106, %mul3A_103] : memref<2x6400000xi32, #tpu.memory_space<hbm>> -> memref<2x3200xi32, #tpu.memory_space<hbm>>
        tpu.enqueue_dma source(%dma_start3A_107 : memref<2x3200xi32, #tpu.memory_space<hbm>>) target(%arg6 : memref<2x3200xi32, #tpu.memory_space<vmem>>) target_semaphore(%arg10 : memref<!tpu.dma_semaphore, #tpu.memory_space<semaphore_mem>>)
      } else {
      }
      %mul3A_73 = arith.constant 32 : i32
      %mul3A_74 = arith.muli %add3A_64, %mul3A_73 : i32
      %add3A_75 = arith.addi %add3A, %mul3A_74 : i32
      %mul3A_76 = arith.constant 3200 : i32
      %mul3A_77 = arith.muli %add3A_75, %mul3A_76 : i32
      %dma_wait3A_78 = arith.constant 0 : i32
      %dma_wait3A_79 = tpu.memref_slice %arg3[%dma_wait3A_78, %mul3A_77] : memref<2x6400000xi32, #tpu.memory_space<hbm>> -> memref<2x3200xi32, #tpu.memory_space<hbm>>
      %dma_wait3A_80 = arith.constant 0 : i32
      %dma_wait3A_81 = tpu.memref_slice %arg3[%dma_wait3A_80, %mul3A_77] : memref<2x6400000xi32, #tpu.memory_space<hbm>> -> memref<2x3200xi32, #tpu.memory_space<hbm>>
      tpu.wait_dma2 semaphore(%arg11 : memref<!tpu.dma_semaphore, #tpu.memory_space<semaphore_mem>>) src(%dma_wait3A_81 : memref<2x3200xi32, #tpu.memory_space<hbm>>) dst(%arg7 : memref<2x3200xi32, #tpu.memory_space<vmem>>)
      %ge3A_82 = arith.constant 2 : i32
      %ge3A_83 = arith.cmpi sge, %add3A_64, %ge3A_82 : i32
      %convert_element_type3A_84 = arith.extui %ge3A_83 : i1 to i32
      %cond3A_85 = arith.constant 0 : i32
      %cond3A_86 = arith.cmpi ne, %convert_element_type3A_84, %cond3A_85 : i32
      scf.if %cond3A_86 {
        %sub3A = arith.constant 2 : i32
        %sub3A_97 = arith.subi %add3A_64, %sub3A : i32
        %mul3A_98 = arith.constant 32 : i32
        %mul3A_99 = arith.muli %sub3A_97, %mul3A_98 : i32
        %add3A_100 = arith.addi %add3A, %mul3A_99 : i32
        %mul3A_101 = arith.constant 3200 : i32
        %mul3A_102 = arith.muli %add3A_100, %mul3A_101 : i32
        %dma_wait3A_103 = tpu.memref_slice %arg4[%mul3A_102] : memref<6400000xf32, #tpu.memory_space<hbm>> -> memref<3200xf32, #tpu.memory_space<hbm>>
        %dma_wait3A_104 = tpu.memref_slice %arg4[%mul3A_102] : memref<6400000xf32, #tpu.memory_space<hbm>> -> memref<3200xf32, #tpu.memory_space<hbm>>
        tpu.wait_dma2 semaphore(%arg13 : memref<!tpu.dma_semaphore, #tpu.memory_space<semaphore_mem>>) src(%arg9 : memref<3200xf32, #tpu.memory_space<vmem>>) dst(%dma_wait3A_104 : memref<3200xf32, #tpu.memory_space<hbm>>)
      } else {
      }
      %parallel_loop3A_87 = arith.constant 0 : i32
      %parallel_loop3A_88 = arith.constant 200 : i32
      %parallel_loop3A_89 = arith.constant 1 : i32
      scf.for %parallel_loop3A_97 = %parallel_loop3A_87 to %parallel_loop3A_88 step %parallel_loop3A_89  : i32 {
        %parallel_loop3A_98 = arith.constant 16 : i32
        %parallel_loop3A_99 = arith.muli %parallel_loop3A_97, %parallel_loop3A_98 : i32
        %parallel_loop3A_100 = arith.constant 0 : i32
        %parallel_loop3A_101 = arith.index_cast %parallel_loop3A_100 : i32 to index
        %parallel_loop3A_102 = arith.index_cast %parallel_loop3A_99 : i32 to index
        %parallel_loop3A_103 = tpu.vector_load %arg7[%parallel_loop3A_101, %parallel_loop3A_102] {strides = array<i32>} : memref<2x3200xi32, #tpu.memory_space<vmem>>, vector<16xi32>,
        %parallel_loop3A_104 = tpu.vector_load_idx %arg5[%parallel_loop3A_103] : memref<100000xi32, #tpu.memory_space<vmem>>[vector<16xi32>], vector<16xi32>,
        %parallel_loop3A_105 = arith.constant 1 : i32
        %parallel_loop3A_106 = arith.index_cast %parallel_loop3A_105 : i32 to index
        %parallel_loop3A_107 = arith.index_cast %parallel_loop3A_99 : i32 to index
        %parallel_loop3A_108 = tpu.vector_load %arg7[%parallel_loop3A_106, %parallel_loop3A_107] {strides = array<i32>} : memref<2x3200xi32, #tpu.memory_space<vmem>>, vector<16xi32>,
        %parallel_loop3A_109 = tpu.vector_load_idx %arg5[%parallel_loop3A_108] : memref<100000xi32, #tpu.memory_space<vmem>>[vector<16xi32>], vector<16xi32>,
        %parallel_loop3A_110 = vector.bitcast %parallel_loop3A_104 : vector<16xi32> to vector<32xbf16>
        %parallel_loop3A_111 = vector.bitcast %parallel_loop3A_109 : vector<16xi32> to vector<32xbf16>
        %parallel_loop3A_112 = arith.subf %parallel_loop3A_110, %parallel_loop3A_111 : vector<32xbf16>
        %parallel_loop3A_113 = arith.mulf %parallel_loop3A_112, %parallel_loop3A_112 : vector<32xbf16>
        %parallel_loop3A_114 = tpu.unpack_subelements %parallel_loop3A_113, 0 {pack_format = #tpu.pack_format<interleaved>} : vector<32xbf16> -> vector<16xf32>
        %parallel_loop3A_115 = tpu.unpack_subelements %parallel_loop3A_113, 1 {pack_format = #tpu.pack_format<interleaved>} : vector<32xbf16> -> vector<16xf32>
        %parallel_loop3A_116 = arith.addf %parallel_loop3A_114, %parallel_loop3A_115 : vector<16xf32>
        %parallel_loop3A_117 = vector.bitcast %parallel_loop3A_116 : vector<16xf32> to vector<16xi32>
        %parallel_loop3A_118 = arith.constant 1 : i32
        %parallel_loop3A_119 = vector.broadcast %parallel_loop3A_118 : i32 to vector<16xi32>
        %parallel_loop3A_120 = arith.shrsi %parallel_loop3A_117, %parallel_loop3A_119 : vector<16xi32>
        %parallel_loop3A_121 = arith.constant 1597463007 : i32
        %parallel_loop3A_122 = vector.broadcast %parallel_loop3A_121 : i32 to vector<16xi32>
        %parallel_loop3A_123 = arith.subi %parallel_loop3A_122, %parallel_loop3A_120 : vector<16xi32>
        %parallel_loop3A_124 = vector.bitcast %parallel_loop3A_123 : vector<16xi32> to vector<16xf32>
        %parallel_loop3A_125 = arith.constant 5.000000e-01 : f32
        %parallel_loop3A_126 = vector.broadcast %parallel_loop3A_125 : f32 to vector<16xf32>
        %parallel_loop3A_127 = arith.mulf %parallel_loop3A_126, %parallel_loop3A_116 : vector<16xf32>
        %parallel_loop3A_128 = arith.mulf %parallel_loop3A_127, %parallel_loop3A_124 : vector<16xf32>
        %parallel_loop3A_129 = arith.mulf %parallel_loop3A_128, %parallel_loop3A_124 : vector<16xf32>
        %parallel_loop3A_130 = arith.constant 1.500000e+00 : f32
        %parallel_loop3A_131 = vector.broadcast %parallel_loop3A_130 : f32 to vector<16xf32>
        %parallel_loop3A_132 = arith.subf %parallel_loop3A_131, %parallel_loop3A_129 : vector<16xf32>
        %parallel_loop3A_133 = arith.mulf %parallel_loop3A_124, %parallel_loop3A_132 : vector<16xf32>
        %parallel_loop3A_134 = arith.mulf %parallel_loop3A_116, %parallel_loop3A_133 : vector<16xf32>
        %parallel_loop3A_135 = arith.index_cast %parallel_loop3A_99 : i32 to index
        %parallel_loop3A_136 = tpu.vector_load %arg9[%parallel_loop3A_135] {strides = array<i32>} : memref<3200xf32, #tpu.memory_space<vmem>>, vector<16xf32>,
        tpu.vector_store %arg9[%parallel_loop3A_135], %parallel_loop3A_134 {strides = array<i32>} : memref<3200xf32, #tpu.memory_space<vmem>>, vector<16xf32>,
      } {sc.loop_unroll_factor = 8 : i64, sc.parallel_access}
      %mul3A_90 = arith.constant 32 : i32
      %mul3A_91 = arith.muli %add3A_64, %mul3A_90 : i32
      %add3A_92 = arith.addi %add3A, %mul3A_91 : i32
      %mul3A_93 = arith.constant 3200 : i32
      %mul3A_94 = arith.muli %add3A_92, %mul3A_93 : i32
      %dma_start3A_95 = tpu.memref_slice %arg4[%mul3A_94] : memref<6400000xf32, #tpu.memory_space<hbm>> -> memref<3200xf32, #tpu.memory_space<hbm>>
      %dma_start3A_96 = tpu.memref_slice %arg4[%mul3A_94] : memref<6400000xf32, #tpu.memory_space<hbm>> -> memref<3200xf32, #tpu.memory_space<hbm>>
      tpu.enqueue_dma source(%arg9 : memref<3200xf32, #tpu.memory_space<vmem>>) target(%dma_start3A_96 : memref<3200xf32, #tpu.memory_space<hbm>>) target_semaphore(%arg13 : memref<!tpu.dma_semaphore, #tpu.memory_space<semaphore_mem>>)
    }
    %scan3A_13 = arith.constant 31 : i32
    %convert_element_type3A = arith.extui %lt3A_1 : i1 to i32
    %cond3A = arith.constant 0 : i32
    %cond3A_14 = arith.cmpi ne, %convert_element_type3A, %cond3A : i32
    scf.if %cond3A_14 {
      %add3A_27 = arith.constant 1984 : i32
      %add3A_28 = arith.addi %add3A, %add3A_27 : i32
      %mul3A_29 = arith.constant 3200 : i32
      %mul3A_30 = arith.muli %add3A_28, %mul3A_29 : i32
      %dma_wait3A_31 = arith.constant 0 : i32
      %dma_wait3A_32 = tpu.memref_slice %arg3[%dma_wait3A_31, %mul3A_30] : memref<2x6400000xi32, #tpu.memory_space<hbm>> -> memref<2x3200xi32, #tpu.memory_space<hbm>>
      %dma_wait3A_33 = arith.constant 0 : i32
      %dma_wait3A_34 = tpu.memref_slice %arg3[%dma_wait3A_33, %mul3A_30] : memref<2x6400000xi32, #tpu.memory_space<hbm>> -> memref<2x3200xi32, #tpu.memory_space<hbm>>
      tpu.wait_dma2 semaphore(%arg10 : memref<!tpu.dma_semaphore, #tpu.memory_space<semaphore_mem>>) src(%dma_wait3A_34 : memref<2x3200xi32, #tpu.memory_space<hbm>>) dst(%arg6 : memref<2x3200xi32, #tpu.memory_space<vmem>>)
      %add3A_35 = arith.constant 1920 : i32
      %add3A_36 = arith.addi %add3A, %add3A_35 : i32
      %mul3A_37 = arith.constant 3200 : i32
      %mul3A_38 = arith.muli %add3A_36, %mul3A_37 : i32
      %dma_wait3A_39 = tpu.memref_slice %arg4[%mul3A_38] : memref<6400000xf32, #tpu.memory_space<hbm>> -> memref<3200xf32, #tpu.memory_space<hbm>>
      %dma_wait3A_40 = tpu.memref_slice %arg4[%mul3A_38] : memref<6400000xf32, #tpu.memory_space<hbm>> -> memref<3200xf32, #tpu.memory_space<hbm>>
      tpu.wait_dma2 semaphore(%arg12 : memref<!tpu.dma_semaphore, #tpu.memory_space<semaphore_mem>>) src(%arg8 : memref<3200xf32, #tpu.memory_space<vmem>>) dst(%dma_wait3A_40 : memref<3200xf32, #tpu.memory_space<hbm>>)
      %parallel_loop3A = arith.constant 0 : i32
      %parallel_loop3A_41 = arith.constant 200 : i32
      %parallel_loop3A_42 = arith.constant 1 : i32
      scf.for %parallel_loop3A_49 = %parallel_loop3A to %parallel_loop3A_41 step %parallel_loop3A_42  : i32 {
        %parallel_loop3A_50 = arith.constant 16 : i32
        %parallel_loop3A_51 = arith.muli %parallel_loop3A_49, %parallel_loop3A_50 : i32
        %parallel_loop3A_52 = arith.constant 0 : i32
        %parallel_loop3A_53 = arith.index_cast %parallel_loop3A_52 : i32 to index
        %parallel_loop3A_54 = arith.index_cast %parallel_loop3A_51 : i32 to index
        %parallel_loop3A_55 = tpu.vector_load %arg6[%parallel_loop3A_53, %parallel_loop3A_54] {strides = array<i32>} : memref<2x3200xi32, #tpu.memory_space<vmem>>, vector<16xi32>,
        %parallel_loop3A_56 = tpu.vector_load_idx %arg5[%parallel_loop3A_55] : memref<100000xi32, #tpu.memory_space<vmem>>[vector<16xi32>], vector<16xi32>,
        %parallel_loop3A_57 = arith.constant 1 : i32
        %parallel_loop3A_58 = arith.index_cast %parallel_loop3A_57 : i32 to index
        %parallel_loop3A_59 = arith.index_cast %parallel_loop3A_51 : i32 to index
        %parallel_loop3A_60 = tpu.vector_load %arg6[%parallel_loop3A_58, %parallel_loop3A_59] {strides = array<i32>} : memref<2x3200xi32, #tpu.memory_space<vmem>>, vector<16xi32>,
        %parallel_loop3A_61 = tpu.vector_load_idx %arg5[%parallel_loop3A_60] : memref<100000xi32, #tpu.memory_space<vmem>>[vector<16xi32>], vector<16xi32>,
        %parallel_loop3A_62 = vector.bitcast %parallel_loop3A_56 : vector<16xi32> to vector<32xbf16>
        %parallel_loop3A_63 = vector.bitcast %parallel_loop3A_61 : vector<16xi32> to vector<32xbf16>
        %parallel_loop3A_64 = arith.subf %parallel_loop3A_62, %parallel_loop3A_63 : vector<32xbf16>
        %parallel_loop3A_65 = arith.mulf %parallel_loop3A_64, %parallel_loop3A_64 : vector<32xbf16>
        %parallel_loop3A_66 = tpu.unpack_subelements %parallel_loop3A_65, 0 {pack_format = #tpu.pack_format<interleaved>} : vector<32xbf16> -> vector<16xf32>
        %parallel_loop3A_67 = tpu.unpack_subelements %parallel_loop3A_65, 1 {pack_format = #tpu.pack_format<interleaved>} : vector<32xbf16> -> vector<16xf32>
        %parallel_loop3A_68 = arith.addf %parallel_loop3A_66, %parallel_loop3A_67 : vector<16xf32>
        %parallel_loop3A_69 = vector.bitcast %parallel_loop3A_68 : vector<16xf32> to vector<16xi32>
        %parallel_loop3A_70 = arith.constant 1 : i32
        %parallel_loop3A_71 = vector.broadcast %parallel_loop3A_70 : i32 to vector<16xi32>
        %parallel_loop3A_72 = arith.shrsi %parallel_loop3A_69, %parallel_loop3A_71 : vector<16xi32>
        %parallel_loop3A_73 = arith.constant 1597463007 : i32
        %parallel_loop3A_74 = vector.broadcast %parallel_loop3A_73 : i32 to vector<16xi32>
        %parallel_loop3A_75 = arith.subi %parallel_loop3A_74, %parallel_loop3A_72 : vector<16xi32>
        %parallel_loop3A_76 = vector.bitcast %parallel_loop3A_75 : vector<16xi32> to vector<16xf32>
        %parallel_loop3A_77 = arith.constant 5.000000e-01 : f32
        %parallel_loop3A_78 = vector.broadcast %parallel_loop3A_77 : f32 to vector<16xf32>
        %parallel_loop3A_79 = arith.mulf %parallel_loop3A_78, %parallel_loop3A_68 : vector<16xf32>
        %parallel_loop3A_80 = arith.mulf %parallel_loop3A_79, %parallel_loop3A_76 : vector<16xf32>
        %parallel_loop3A_81 = arith.mulf %parallel_loop3A_80, %parallel_loop3A_76 : vector<16xf32>
        %parallel_loop3A_82 = arith.constant 1.500000e+00 : f32
        %parallel_loop3A_83 = vector.broadcast %parallel_loop3A_82 : f32 to vector<16xf32>
        %parallel_loop3A_84 = arith.subf %parallel_loop3A_83, %parallel_loop3A_81 : vector<16xf32>
        %parallel_loop3A_85 = arith.mulf %parallel_loop3A_76, %parallel_loop3A_84 : vector<16xf32>
        %parallel_loop3A_86 = arith.mulf %parallel_loop3A_68, %parallel_loop3A_85 : vector<16xf32>
        %parallel_loop3A_87 = arith.index_cast %parallel_loop3A_51 : i32 to index
        %parallel_loop3A_88 = tpu.vector_load %arg8[%parallel_loop3A_87] {strides = array<i32>} : memref<3200xf32, #tpu.memory_space<vmem>>, vector<16xf32>,
        tpu.vector_store %arg8[%parallel_loop3A_87], %parallel_loop3A_86 {strides = array<i32>} : memref<3200xf32, #tpu.memory_space<vmem>>, vector<16xf32>,
      } {sc.loop_unroll_factor = 8 : i64, sc.parallel_access}
      %add3A_43 = arith.constant 1984 : i32
      %add3A_44 = arith.addi %add3A, %add3A_43 : i32
      %mul3A_45 = arith.constant 3200 : i32
      %mul3A_46 = arith.muli %add3A_44, %mul3A_45 : i32
      %dma_start3A_47 = tpu.memref_slice %arg4[%mul3A_46] : memref<6400000xf32, #tpu.memory_space<hbm>> -> memref<3200xf32, #tpu.memory_space<hbm>>
      %dma_start3A_48 = tpu.memref_slice %arg4[%mul3A_46] : memref<6400000xf32, #tpu.memory_space<hbm>> -> memref<3200xf32, #tpu.memory_space<hbm>>
      tpu.enqueue_dma source(%arg8 : memref<3200xf32, #tpu.memory_space<vmem>>) target(%dma_start3A_48 : memref<3200xf32, #tpu.memory_space<hbm>>) target_semaphore(%arg12 : memref<!tpu.dma_semaphore, #tpu.memory_space<semaphore_mem>>)
    } else {
    }
    %not3A = arith.constant true
    %not3A_15 = arith.xori %lt3A_1, %not3A : i1
    %convert_element_type3A_16 = arith.extui %not3A_15 : i1 to i32
    %cond3A_17 = arith.constant 0 : i32
    %cond3A_18 = arith.cmpi ne, %convert_element_type3A_16, %cond3A_17 : i32
    scf.if %cond3A_18 {
      %add3A_27 = arith.constant 1920 : i32
      %add3A_28 = arith.addi %add3A, %add3A_27 : i32
      %mul3A_29 = arith.constant 3200 : i32
      %mul3A_30 = arith.muli %add3A_28, %mul3A_29 : i32
      %dma_wait3A_31 = tpu.memref_slice %arg4[%mul3A_30] : memref<6400000xf32, #tpu.memory_space<hbm>> -> memref<3200xf32, #tpu.memory_space<hbm>>
      %dma_wait3A_32 = tpu.memref_slice %arg4[%mul3A_30] : memref<6400000xf32, #tpu.memory_space<hbm>> -> memref<3200xf32, #tpu.memory_space<hbm>>
      tpu.wait_dma2 semaphore(%arg12 : memref<!tpu.dma_semaphore, #tpu.memory_space<semaphore_mem>>) src(%arg8 : memref<3200xf32, #tpu.memory_space<vmem>>) dst(%dma_wait3A_32 : memref<3200xf32, #tpu.memory_space<hbm>>)
    } else {
    }
    %add3A_19 = arith.constant 1952 : i32
    %add3A_20 = arith.addi %add3A, %add3A_19 : i32
    %mul3A_21 = arith.constant 3200 : i32
    %mul3A_22 = arith.muli %add3A_20, %mul3A_21 : i32
    %dma_wait3A = tpu.memref_slice %arg4[%mul3A_22] : memref<6400000xf32, #tpu.memory_space<hbm>> -> memref<3200xf32, #tpu.memory_space<hbm>>
    %dma_wait3A_23 = tpu.memref_slice %arg4[%mul3A_22] : memref<6400000xf32, #tpu.memory_space<hbm>> -> memref<3200xf32, #tpu.memory_space<hbm>>
    tpu.wait_dma2 semaphore(%arg13 : memref<!tpu.dma_semaphore, #tpu.memory_space<semaphore_mem>>) src(%arg9 : memref<3200xf32, #tpu.memory_space<vmem>>) dst(%dma_wait3A_23 : memref<3200xf32, #tpu.memory_space<hbm>>)
    %convert_element_type3A_24 = arith.extui %lt3A_1 : i1 to i32
    %cond3A_25 = arith.constant 0 : i32
    %cond3A_26 = arith.cmpi ne, %convert_element_type3A_24, %cond3A_25 : i32
    scf.if %cond3A_26 {
      %add3A_27 = arith.constant 1984 : i32
      %add3A_28 = arith.addi %add3A, %add3A_27 : i32
      %mul3A_29 = arith.constant 3200 : i32
      %mul3A_30 = arith.muli %add3A_28, %mul3A_29 : i32
      %dma_wait3A_31 = tpu.memref_slice %arg4[%mul3A_30] : memref<6400000xf32, #tpu.memory_space<hbm>> -> memref<3200xf32, #tpu.memory_space<hbm>>
      %dma_wait3A_32 = tpu.memref_slice %arg4[%mul3A_30] : memref<6400000xf32, #tpu.memory_space<hbm>> -> memref<3200xf32, #tpu.memory_space<hbm>>
      tpu.wait_dma2 semaphore(%arg12 : memref<!tpu.dma_semaphore, #tpu.memory_space<semaphore_mem>>) src(%arg8 : memref<3200xf32, #tpu.memory_space<vmem>>) dst(%dma_wait3A_32 : memref<3200xf32, #tpu.memory_space<hbm>>)
    } else {
    }
    return
  }
}

</mosaic_0001>

<sc_bundles>
// kernel: kernel.3.cloned.1.call-start
scs
__scs_entry_jumppad:
0x0: {  	(pc) =	sbr.rel $0x88, $3  }
0x1: {  	(tag) =	ssettag $0x0;
	lr =	simm.s32 $0x1  }
0x2: {  	[smem:$0x3F9F] =	sst lr;
	_ =	strace $0xD0000000  }
0x3: {  	_ = 	snop  }
0x4: {  	_ = 	snop  }
0x5: {  	_ = 	snop  }
0x6: {  	_ = 	snop  }
0x7: {  	_ = 	snop  }
__scs_overlays_trampoline_lowered:
0x8: {  	[smem:$0x3FAE] =	sst s0  }
0x9: {  	[smem:$0x3FAF] =	sst s1  }
0xa: {  	[smem:$0x3FB0] =	sst s2  }
0xb: {  	[smem:$0x3FB1] =	sst s3  }
0xc: {  	[smem:$0x3FB2] =	sst s4  }
0xd: {  	[smem:$0x3FB3] =	sst s5  }
0xe: {  	[smem:$0x3FB4] =	sst s6  }
0xf: {  	[smem:$0x3FB5] =	sst s7  }
0x10: {  	[smem:$0x3FB6] =	sst s8  }
0x11: {  	[smem:$0x3FB7] =	sst s9;
	s0 =	simm.s32 @!p0 $0x0  }
0x12: {  	s1 =	sld [smem:$0x3F9D];
	s0 =	simm.s32 @p0 $0x1  }
0x13: {  	[smem:$0x3FB8] =	sst s0;
	s0 =	simm.s32 @!p1 $0x0  }
0x14: {  	s2 =	sld [smem:$0x3F9C];
	s0 =	simm.s32 @p1 $0x1  }
0x15: {  	[smem:$0x3FB9] =	sst s0;
	s0 =	simm.s32 @!p2 $0x0  }
0x16: {  	s3 =	sld [smem:$0x3FDB];
	s0 =	simm.s32 @p2 $0x1  }
0x17: {  	s4 =	simm.s32 $0x1BF5;
	[smem:$0x3FBB] =	sst s0  }
0x18: {  	s0 =	sld [smem:$0x3F9E];
	_ =	swait.ge [sflag:s4], $0x0  }
0x19: {  	s7 =	sld [smem:$0x3F9F]  }
0x1a: {  	s8 =	sadd.s32 $0xFFFFE003, lr  }
0x1b: {  	s9 =	sadd.s32 $0xFFFFFEF7, lr;
	s5 =	simm.s32 $0xFFFFFFFF;
	p2 =	slt.u32 s8, $0xFFFFF086  }
0x1c: {  	p1 =	slt.u32 s9, $0xF7A;
	s5 =	simm.s32 @!p2 $0x0  }
0x1d: {  	s5 =	simm.s32 @p1 $0x1;
	p0 =	seq.s32 s7, s2  }
0x1e: {  	s7 =	smul.u32 @!p0 $0xF7A, s2;
	p2 =	seq.s32 @!p0 s5, $0x0  }
0x1f: {  	s9 =	smul.u32 $0xF7A, s1;
	s8 =	simm.s32 @!p0 $0x1BF5;
	p2 =	por !p2, p0  }
0x20: {  	[sflag:s8] =	ssyncset.s32 @!p0 $0xFFFFF086;
	s6 =	sadd.s32 @!p0 s3, s7;
	s7 =	simm.s32 @!p0 $0x108  }
0x21: {  	s3 =	sadd.s32 s3, s9;
	s6 =	sadd.s32 @!p0 $0x88, s6;
	s7 =	simm.s32 @p2 $0x1082  }
0x22: {  	[simem:s7], [sflag:s8] =	dma.local @!p0 [hbm:s6], $0xF7A  }
0x23: {  	s9 =	sor.u32 $0xD0000000, s2;
	s6 =	simm.s32 $0x108;
	_ =	swait.ge @!p0 [sflag:s8], $0x0  }
0x24: {  	s3 =	sadd.s32 $0x88, s3;
	s6 =	simm.s32 @!p1 $0x1082;
	[sflag:s4] =	ssyncset.s32 $0xFFFFF086  }
0x25: {  	[simem:s6], [sflag:s4] =	dma.local [hbm:s3], $0xF7A  }
0x26: {  	[smem:$0x3F9F] =	sst s1;
	(tag) =	ssettag s2;
	_ =	strace s9  }
0x27: {  	s1 =	sld [smem:$0x3FAF]  }
0x28: {  	s2 =	sld [smem:$0x3FB0]  }
0x29: {  	s4 =	sld [smem:$0x3FB2]  }
0x2a: {  	p0 =	seq.s32 s5, $0x0;
	s5 =	sld [smem:$0x3FB3]  }
0x2b: {  	s6 =	sld [smem:$0x3FB4]  }
0x2c: {  	s7 =	sld [smem:$0x3FB5]  }
0x2d: {  	s3 =	simm.s32 $0x108;
	s8 =	sld [smem:$0x3FB6]  }
0x2e: {  	s3 =	simm.s32 @!p0 $0x1082;
	s9 =	sld [smem:$0x3FB7]  }
0x2f: {  	lr =	sadd.s32 s0, s3;
	s0 =	sld [smem:$0x3FAE]  }
0x30: {  	s3 =	sld [smem:$0x3FB1]  }
0x31: {  	[smem:$0x3FBA] =	sst s10  }
0x32: {  	s10 =	sld [smem:$0x3FB8];
	_ =	sdelay $0x3  }
0x33: {  	p0 =	seq.s32 s10, $0x1;
	s10 =	sld [smem:$0x3FBA];
	_ =	sdelay $0x3  }
0x34: {  	[smem:$0x3FBA] =	sst s10  }
0x35: {  	s10 =	sld [smem:$0x3FB9];
	_ =	sdelay $0x3  }
0x36: {  	p1 =	seq.s32 s10, $0x1;
	s10 =	sld [smem:$0x3FBA];
	_ =	sdelay $0x3  }
0x37: {  	[smem:$0x3FBA] =	sst s10  }
0x38: {  	s10 =	sld [smem:$0x3FBB]  }
0x39: {  	_ = 	snop;
	(pc) =	sbr.ind lr, $3  }
0x3a: {  	_ = 	snop  }
0x3b: {  	_ = 	snop  }
0x3c: {  	p2 =	seq.s32 s10, $0x1;
	s10 =	sld [smem:$0x3FBA]  }
0x3d: {  	_ =	shalt  }
0x3e: {  	_ =	shalt  }
0x3f: {  	_ =	shalt  }
0x40: {  	_ =	shalt  }
0x41: {  	_ =	shalt  }
0x42: {  	_ =	shalt  }
0x43: {  	_ =	shalt  }
0x44: {  	_ =	shalt  }
0x45: {  	_ =	shalt  }
0x46: {  	_ =	shalt  }
0x47: {  	_ =	shalt  }
0x48: {  	_ =	shalt  }
0x49: {  	_ =	shalt  }
0x4a: {  	_ =	shalt  }
0x4b: {  	_ =	shalt  }
0x4c: {  	_ =	shalt  }
0x4d: {  	_ =	shalt  }
0x4e: {  	_ =	shalt  }
0x4f: {  	_ =	shalt  }
0x50: {  	_ =	shalt  }
0x51: {  	_ =	shalt  }
0x52: {  	_ =	shalt  }
0x53: {  	_ =	shalt  }
0x54: {  	_ =	shalt  }
0x55: {  	_ =	shalt  }
0x56: {  	_ =	shalt  }
0x57: {  	_ =	shalt  }
0x58: {  	_ =	shalt  }
0x59: {  	_ =	shalt  }
0x5a: {  	_ =	shalt  }
0x5b: {  	_ =	shalt  }
0x5c: {  	_ =	shalt  }
0x5d: {  	_ =	shalt  }
0x5e: {  	_ =	shalt  }
0x5f: {  	_ =	shalt  }
0x60: {  	_ =	shalt  }
0x61: {  	_ =	shalt  }
0x62: {  	_ =	shalt  }
0x63: {  	_ =	shalt  }
0x64: {  	_ =	shalt  }
0x65: {  	_ =	shalt  }
0x66: {  	_ =	shalt  }
0x67: {  	_ =	shalt  }
0x68: {  	_ =	shalt  }
0x69: {  	_ =	shalt  }
0x6a: {  	_ =	shalt  }
0x6b: {  	_ =	shalt  }
0x6c: {  	_ =	shalt  }
0x6d: {  	_ =	shalt  }
0x6e: {  	_ =	shalt  }
0x6f: {  	_ =	shalt  }
0x70: {  	_ =	shalt  }
0x71: {  	_ =	shalt  }
0x72: {  	_ =	shalt  }
0x73: {  	_ =	shalt  }
0x74: {  	_ =	shalt  }
0x75: {  	_ =	shalt  }
0x76: {  	_ =	shalt  }
0x77: {  	_ =	shalt  }
0x78: {  	_ =	shalt  }
0x79: {  	_ =	shalt  }
0x7a: {  	_ =	shalt  }
0x7b: {  	_ =	shalt  }
0x7c: {  	_ =	shalt  }
0x7d: {  	_ =	shalt  }
0x7e: {  	_ =	shalt  }
0x7f: {  	_ =	shalt  }
0x80: {  	_ =	shalt  }
0x81: {  	_ =	shalt  }
0x82: {  	_ =	shalt  }
0x83: {  	_ =	shalt  }
0x84: {  	_ =	shalt  }
0x85: {  	_ =	shalt  }
0x86: {  	_ =	shalt  }
0x87: {  	_ =	shalt  }
.Lfunc_end0:
.L_simem_size_0:
called_computation_lowered:
.L_overlay_start_0:
0x88: {  	s2 =	sld [smem:$0x3FD9]  }
0x89: {  	s3 =	sld [smem:$0x3FFE];
	_ =	sdelay $0x1  }
0x8a: {  	s1 =	srdreg.scid  }
0x8b: {  	s0 =	sand.u32 $0x1, s1  }
0x8c: {  	s17 =	sshll.u32 s0, $0xA;
	s2 =	sadd.s32 s3, s2  }
0x8d: {  	s2 =	sadd.s32 s2, s17  }
0x8e: {  	[smem:$0x3FC6] =	sst s2  }
0x8f: {  	_ = 	snop  }
0x90: {  	s2 =	sld [smem:$0x3FC8]  }
0x91: {  	s18 =	sld [smem:$0x3FD0];
	(tm) =	ssettm $0x1  }
0x92: {  	s4 =	sld [smem:$0x3FFB];
	_ =	sdelay $0x3  }
0x93: {  	_ =	strace s4  }
0x94: {  	s4 =	sld [smem:$0x3FFC];
	_ =	sdelay $0x3  }
0x95: {  	_ =	strace s4  }
0x96: {  	s4 =	sld [smem:$0x3FFD];
	_ =	sdelay $0x3  }
0x97: {  	_ =	strace s4  }
0x98: {  	_ =	strace $0x8FFFFFFF  }
0x99: {  	s19 =	sld [smem:$0x3FDB];
	_ =	sdelay $0x1  }
0x9a: {  	s5 =	simm.s32 $_scs_section_size  }
0x9b: {  	s6 =	simm.s32 $_size__tile_overlayer_lowered;
	s7 =	simm.s32 $_tile_overlayer_lowered  }
0x9c: {  	s22 =	simm.s32 $0x1BFF;
	s21 =	sshll.u32 s7, $0x1;
	s4 =	sadd.s32 s5, s19  }
0x9d: {  	s8 =	simm.s32 $0x0;
	s20 =	sshll.u32 s6, $0x1;
	s6 =	sadd.s32 s21, s4  }
0x9e: {  	[timem:s8], [sflag:s22] =	dma.local [hbm:s6], s20  }
0x9f: {  	_ =	swait.ge [sflag:s22], s20  }
0xa0: {  	s5 =	ssub.s32 $0x0, s20;
	[sflag:s22] =	ssyncset.done $0x0  }
0xa1: {  	[sflag:s22] =	ssyncadd.s32 s5;
	_ =	sdelay $0x1  }
0xa2: {  	s23 =	simm.s32 $0x1B8B  }
0xa3: {  	_ =	swait.ge [sflag:s23], $0x1  }
0xa4: {  	[sflag:s23] =	ssyncset.done $0x0  }
0xa5: {  	s25 =	simm.s32 $0x1B8E;
	s24 =	sld [smem:$0x3FFE];
	[sflag:s23] =	ssyncadd.s32 $0xFFFFFFFF  }
0xa6: {  	s26 =	simm.s32 $execute0_lowered;
	[smem:$0x3FD2] =	sst s25  }
0xa7: {  	s6 =	sshll.u32 s26, $0x1;
	_ =	strace $0x80000046;
	[dreg:$0x1] =	wrdreg $0xFFFFFFFF  }
0xa8: {  	s28 =	simm.s32 $_size_execute0_lowered;
	s4 =	sadd.s32 s4, s6;
	[dreg:$0x0] =	wrdreg $0x0  }
0xa9: {  	s6 =	sshll.u32 s28, $0x1;
	[dreg:$0x2] =	wrdreg s4  }
0xaa: {  	[dreg:$0x3] =	wrdreg s6  }
0xab: {  	[dreg:$0x4] =	wrdreg $0xC0  }
0xac: {  	_ =	task [dreg:s8], $0x5FFFF  }
0xad: {  	[dreg:$0x1] =	wrdreg $0xFFFFFFFF  }
0xae: {  	[dreg:$0x0] =	wrdreg $0x60  }
0xaf: {  	[dreg:$0x2] =	wrdreg s24  }
0xb0: {  	[dreg:$0x3] =	wrdreg s2  }
0xb1: {  	[dreg:$0x4] =	wrdreg s18  }
0xb2: {  	[dreg:$0x5] =	wrdreg $0x9  }
0xb3: {  	_ =	task.clear_ibuf [dreg:s8], $0x6FFFF;
	_ =	strace $0x90000046  }
0xb4: {  	s29 =	simm.s32 $0x9;
	_ =	strace $0x80000048  }
0xb5: {  	_ =	swait.ge [sflag:s29], $0x1  }
0xb6: {  	[sflag:s29] =	ssyncadd.s32 $0xFFFFFFFF  }
0xb7: {  	_ =	strace $0x90000048  }
0xb8: {  	_ =	sfence  }
0xb9: {  	s30 =	sld [smem:$0x0];
	_ =	sdelay $0x2  }
0xba: {  	s31 =	sshll.u32 s1, $0xD;
	s1 =	sshrl.u32 s1, $0x2  }
0xbb: {  	s3 =	sand.u32 $0x4000, s31;
	s1 =	sadd.s32 s1, s30  }
0xbc: {  	s0 =	sor.u32 s3, s0;
	s1 =	sshll.u32 s1, $0x11  }
0xbd: {  	s0 =	sor.u32 s1, s0  }
0xbe: {  	s0 =	sadd.s32 $0x8F2B, s0  }
0xbf: {  	[sflag:s0] =	ssyncadd.remote.s32 $0x1  }
0xc0: {  	_ =	sfence.sel $0xFFFF  }
0xc1: {  	[dreg:$0x0] =	wrdreg $0xFFFFFFFF;
	(pc) =	sbr.abs _section_cstart, $3  }
0xc2: {  	[dreg:$0x1] =	wrdreg $0xFFFFFFFF  }
0xc3: {  	_ =	task.clear_ibuf [dreg:s8], $0x2FFFF;
	_ =	strace $0x9FFFFFFF  }
0xc4: {  	(tm) =	ssettm $0x7FFFFFFF  }
0xc5: {  	_ =	shalt  }
tec
execute0_lowered:
.L_overlay_start_1:
0x0: {  	(tag) =	ssettag $0x1  }
0x1: {  	s1 =	rddreg [dreg:$0x0]  }
0x2: {  	s3 =	rddreg [dreg:$0x1]  }
0x3: {  	s2 =	srdreg.scid;
	s0 =	stileid.u32  }
0x4: {  	s4 =	rddreg [dreg:$0x2];
	s6 =	simm.s32 $0x0;
	s12 =	simm.s32 $0x18700  }
0x5: {  	s13 =	simm.s32 $0x5;
	s14 =	simm.s32 $0x1A000;
	s15 =	simm.s32 $0x1  }
0x6: {  	s16 =	simm.s32 $0x1B900;
	s17 =	simm.s32 $0x2;
	s18 =	simm.s32 $0x1C580  }
0x7: {  	s19 =	simm.s32 $0x3;
	s7 =	sand.u32 $0x1, s2;
	s5 =	sshll.u32 s0, $0x1  }
0x8: {  	s20 =	simm.s32 $0x4;
	s2 =	rddreg [dreg:$0x3];
	s5 =	sor.u32 s7, s5  }
0x9: {  	s21 =	simm.s32 $0x0;
	[smem:$0x7FF] =	sst s6;
	s8 =	smul.u32 $0xC80, s5  }
.Ltmp0:
0xa: {  	p0 =	slt.u32 s0, $0x8;
	s7 =	ssub.s32 $0x2, s7;
	(pc) =	sbr.rel .LBB2_1-.Ltmp0, $4  }
0xb: {  	p1 =	sgt.u32 s0, $0x7;
	s9 =	sshrl.u32 s7, $0x1;
	s10 =	smul.u32 $0x320, s5  }
0xc: {  	_ =	strace $0x80000047;
	s11 =	ssub.s32 s7, s9;
	s30 =	sshrl.u32 s8, $0x3  }
0xd: {  	s9 =	sor.u32 $0x40, s5;
	s7 =	sadd.s32 s3, s10;
	s31 =	sadd.s32 s4, s30  }
0xe: {  	s8 =	sor.u32 $0x20, s5;
	s11 =	smax.u32 s11, $0x1;
	s10 =	sadd.s32 $0xC1C00, s31  }
.LBB2_12:
0xf: {  	s22 =	simm.s32 $0x4;
	s23 =	simm.s32 $0x3  }
.LBB2_16:
0x10: {  	s21 =	sadd.s32 $0x1, s21  }
0x11: {  	_ =	swait.ge [sflag:s23], $0xC80;
	p2 =	sne.s32 s21, s11  }
.Ltmp1:
0x12: {  	[sflag:s23] =	ssyncset.done $0x0;
	(pc) =	sbr.rel @!p2 .LBB2_17-.Ltmp1, $4  }
0x13: {  	[sflag:s23] =	ssyncadd.s32 $0xFFFFF380  }
0x14: {  	_ =	swait.ge [sflag:s22], $0xC80  }
0x15: {  	[sflag:s22] =	ssyncset.done $0x0  }
0x16: {  	[sflag:s22] =	ssyncadd.s32 $0xFFFFF380  }
.LBB2_1:
0x17: {  	[tilespmem:s6], [sflag:$0x5] =	stream.linear.gather [hbm4b:s1+s6], $0x18700, $0x38;
	[tilespmem:$0x1D200] =	vst v63  }
0x18: {  	_ = 	snop  }
0x19: {  	[tilespmem:s12], [sflag:$0x1] =	stream.linear.gather [hbm4b:s7+s6], $0x1900, $0x38;
	[tilespmem:$0x1D200] =	vst v63  }
0x1a: {  	_ =	swait.ge [sflag:s13], $0x18700  }
0x1b: {  	[sflag:s13] =	ssyncset.done $0x0  }
0x1c: {  	s22 =	simm.s32 $0x0;
	[sflag:s13] =	ssyncadd.s32 $0xFFFE7900  }
.LBB2_2:
0x1d: {  	s24 =	sshll.u32 s22, $0x6  }
0x1e: {  	s23 =	sor.u32 s8, s24  }
0x1f: {  	s25 =	smul.u32 $0x320, s23;
	_ =	sdelay $0x1  }
0x20: {  	s25 =	sadd.s32 s3, s25  }
0x21: {  	[tilespmem:s14], [sflag:$0x2] =	stream.linear.gather [hbm4b:s25+s6], $0x1900, $0x38;
	[tilespmem:$0x1D200] =	vst v63  }
0x22: {  	_ =	swait.ge [sflag:s15], $0x1900  }
0x23: {  	p2 =	seq.s32 s22, $0x0;
	[sflag:s15] =	ssyncset.done $0x0  }
0x24: {  	s25 =	simm.s32 @!p2 $0x3;
	[sflag:s15] =	ssyncadd.s32 $0xFFFFE700  }
0x25: {  	_ =	swait.ge @!p2 [sflag:s25], $0xC80  }
0x26: {  	[sflag:s25] =	ssyncset.done @!p2 $0x0  }
0x27: {  	s26 =	simm.s32 $0x18780;
	[sflag:s25] =	ssyncadd.s32 @!p2 $0xFFFFF380  }
0x28: {  	v0 =	vld [tilespmem:s26+$0x10]  }
0x29: {  	v1 =	vld [tilespmem:s26+$0x20]  }
0x2a: {  	v2 =	vld [tilespmem:s26+$0xFFFFFF80]  }
0x2b: {  	v3 =	vld [tilespmem:s26+$0x60]  }
0x2c: {  	v4 =	vld [tilespmem:s26+$0x70]  }
0x2d: {  	v5 =	vld [tilespmem:s26+$0xFFFFFFE0]  }
0x2e: {  	v6 =	vld [tilespmem:s26+$0x50]  }
0x2f: {  	v7 =	vld [tilespmem:s26+$0x0]  }
0x30: {  	v8 =	vld [tilespmem:s26+$0xFFFFFFF0]  }
0x31: {  	v9 =	vld [tilespmem:s26+$0xFFFFFFD0]  }
0x32: {  	v10 =	vld [tilespmem:s26+$0x40]  }
0x33: {  	v11 =	vld [tilespmem:s26+$0xFFFFFFC0]  }
0x34: {  	v12 =	vld [tilespmem:s26+$0xFFFFFFB0]  }
0x35: {  	v13 =	vld [tilespmem:s26+$0xFFFFFFA0]  }
0x36: {  	v14 =	vld [tilespmem:s26+$0x30]  }
0x37: {  	v15 =	vld [tilespmem:s26+$0xFFFFFF90];
	s26 =	simm.s32 $0x18880  }
0x38: {  	v17 =	vld [tilespmem:s26+$0xFFFFFF80]  }
0x39: {  	v19 =	vld [tilespmem:s26+$0x60]  }
0x3a: {  	v6 =	vld.idx.msk [tilespmem:v6+s6+$0x0], $0xffff  }
0x3b: {  	v9 =	vld.idx.msk [tilespmem:v9+s6+$0x0], $0xffff  }
0x3c: {  	v7 =	vld.idx.msk [tilespmem:v7+s6+$0x0], $0xffff  }
0x3d: {  	v8 =	vld.idx.msk [tilespmem:v8+s6+$0x0], $0xffff  }
0x3e: {  	v2 =	vld.idx.msk [tilespmem:v2+s6+$0x0], $0xffff  }
0x3f: {  	v10 =	vld.idx.msk [tilespmem:v10+s6+$0x0], $0xffff  }
0x40: {  	v12 =	vld.idx.msk [tilespmem:v12+s6+$0x0], $0xffff  }
0x41: {  	v14 =	vld.idx.msk [tilespmem:v14+s6+$0x0], $0xffff  }
0x42: {  	v11 =	vld.idx.msk [tilespmem:v11+s6+$0x0], $0xffff  }
0x43: {  	v4 =	vld.idx.msk [tilespmem:v4+s6+$0x0], $0xffff  }
0x44: {  	v24 =	vld [tilespmem:s26+$0xFFFFFFC0]  }
0x45: {  	v29 =	vld [tilespmem:s26+$0x30];
	v2 =	vsub.bf16 v2, v7  }
0x46: {  	v1 =	vld.idx.msk [tilespmem:v1+s6+$0x0], $0xffff;
	v6 =	vsub.bf16 v9, v6  }
0x47: {  	v7 =	vld.idx.msk [tilespmem:v13+s6+$0x0], $0xffff;
	v12 =	vsub.bf16 v12, v14;
	v2 =	vmul.bf16 v2, v2  }
0x48: {  	v0 =	vld.idx.msk [tilespmem:v0+s6+$0x0], $0xffff;
	v4 =	vsub.bf16 v8, v4;
	v10 =	vsub.bf16 v11, v10;
	v6 =	vmul.bf16 v6, v6  }
0x49: {  	v5 =	vld.idx.msk [tilespmem:v5+s6+$0x0], $0xffff;
	v8 =	vmul.bf16 v12, v12;
	v13 =	vunpack.i.u.bf16.f32 v2;
	v2 =	vunpack.i.l.bf16.f32 v2  }
0x4a: {  	v3 =	vld.idx.msk [tilespmem:v3+s6+$0x0], $0xffff;
	v2 =	vadd.f32 v2, v13;
	v13 =	vunpack.i.l.bf16.f32 v6;
	v6 =	vunpack.i.u.bf16.f32 v6  }
0x4b: {  	v9 =	vld.idx.msk [tilespmem:v15+s6+$0x0], $0xffff;
	v11 =	vunpack.i.u.bf16.f32 v8;
	v8 =	vunpack.i.l.bf16.f32 v8;
	v6 =	vadd.f32 v13, v6  }
0x4c: {  	v18 =	vld [tilespmem:s26+$0x70];
	v1 =	vsub.bf16 v7, v1;
	v15 =	vshra.s32 v2, $0x1;
	v16 =	vmul.f32 $5.000000000e-01, v2  }
0x4d: {  	v23 =	vld [tilespmem:s26+$0x50];
	v15 =	vsub.s32 $0x5F3759DF, v15;
	v20 =	vmul.f32 $5.000000000e-01, v6;
	v22 =	vshra.s32 v6, $0x1  }
0x4e: {  	v8 =	vadd.f32 v8, v11;
	v11 =	vld [tilespmem:s26+$0xFFFFFFD0];
	v13 =	vmul.f32 v15, v16;
	v7 =	vsub.s32 $0x5F3759DF, v22  }
0x4f: {  	v21 =	vld [tilespmem:s26+$0xFFFFFFE0];
	v3 =	vsub.bf16 v5, v3;
	v4 =	vmul.bf16 v4, v4;
	v20 =	vmul.f32 v7, v20  }
0x50: {  	v29 =	vld.idx.msk [tilespmem:v29+s6+$0x0], $0xffff;
	v10 =	vmul.bf16 v10, v10;
	v0 =	vsub.bf16 v9, v0;
	v13 =	vmul.f32 v15, v13  }
0x51: {  	v24 =	vld.idx.msk [tilespmem:v24+s6+$0x0], $0xffff;
	v3 =	vmul.bf16 v3, v3;
	v5 =	vmul.f32 v7, v20  }
0x52: {  	v0 =	vmul.bf16 v0, v0;
	v25 =	vmul.bf16 v1, v1;
	v22 =	vld [tilespmem:s26+$0xFFFFFFF0];
	v13 =	vsub.f32 $1.500000000e+00, v13  }
0x53: {  	v9 =	vld [tilespmem:s26+$0x0];
	v28 =	vshra.s32 v8, $0x1;
	v16 =	vunpack.i.l.bf16.f32 v4;
	v5 =	vsub.f32 $1.500000000e+00, v5  }
0x54: {  	v4 =	vunpack.i.u.bf16.f32 v4;
	v20 =	vld [tilespmem:s26+$0x40];
	v13 =	vmul.f32 v15, v13;
	v15 =	vunpack.i.u.bf16.f32 v10  }
0x55: {  	v10 =	vunpack.i.l.bf16.f32 v10;
	v7 =	vmul.f32 v7, v5;
	v5 =	vadd.f32 v16, v4;
	v16 =	vld.idx.msk [tilespmem:v23+s6+$0x0], $0xffff  }
0x56: {  	v27 =	vunpack.i.u.bf16.f32 v25;
	v1 =	vadd.f32 v10, v15;
	v10 =	vunpack.i.l.bf16.f32 v0;
	v23 =	vld.idx.msk [tilespmem:v11+s6+$0x0], $0xffff  }
0x57: {  	v4 =	vsub.s32 $0x5F3759DF, v28;
	v26 =	vmul.f32 v13, v2;
	v13 =	vld [tilespmem:s26+$0xFFFFFFB0];
	v2 =	vmul.f32 $5.000000000e-01, v8  }
0x58: {  	v18 =	vld.idx.msk [tilespmem:v18+s6+$0x0], $0xffff;
	v0 =	vunpack.i.u.bf16.f32 v0;
	v28 =	vmul.f32 v7, v6;
	v6 =	vunpack.i.l.bf16.f32 v25  }
0x59: {  	v14 =	vld [tilespmem:s26+$0x20];
	v11 =	vshra.s32 v1, $0x1;
	v25 =	vunpack.i.u.bf16.f32 v3;
	v7 =	vmul.f32 v4, v2  }
0x5a: {  	v30 =	vld.idx.msk [tilespmem:v22+s6+$0x0], $0xffff;
	v31 =	vshra.s32 v5, $0x1;
	v2 =	vadd.f32 v6, v27;
	v6 =	vmul.f32 $5.000000000e-01, v1  }
0x5b: {  	v12 =	vld [tilespmem:s26+$0x10];
	v27 =	vmul.f32 v4, v7;
	v7 =	vsub.s32 $0x5F3759DF, v11;
	v11 =	vunpack.i.l.bf16.f32 v3  }
0x5c: {  	v9 =	vld.idx.msk [tilespmem:v9+s6+$0x0], $0xffff;
	v22 =	vshra.s32 v2, $0x1;
	v3 =	vadd.f32 v10, v0;
	v16 =	vsub.bf16 v23, v16  }
0x5d: {  	v15 =	vld [tilespmem:s26+$0xFFFFFFA0];
	v0 =	vadd.f32 v11, v25;
	v25 =	vmul.f32 $5.000000000e-01, v2;
	v10 =	vsub.f32 $1.500000000e+00, v27  }
0x5e: {  	v20 =	vld.idx.msk [tilespmem:v20+s6+$0x0], $0xffff;
	v11 =	vsub.s32 $0x5F3759DF, v31;
	v32 =	vsub.s32 $0x5F3759DF, v22;
	v22 =	vmul.f32 $5.000000000e-01, v3  }
0x5f: {  	v23 =	vsub.bf16 v30, v18;
	v25 =	vmul.f32 v32, v25;
	v62 =	vld.idx.msk [tilespmem:v13+s6+$0x0], $0xffff;
	v4 =	vmul.f32 v4, v10  }
0x60: {  	v33 =	vshra.s32 v3, $0x1;
	v13 =	vmul.f32 $5.000000000e-01, v5;
	v10 =	vld.idx.msk [tilespmem:v17+s6+$0x0], $0xffff;
	v17 =	vmul.f32 v7, v6  }
0x61: {  	v27 =	vld [tilespmem:s26+$0xFFFFFF90];
	v6 =	vshra.s32 v0, $0x1;
	v25 =	vmul.f32 v32, v25;
	v34 =	vmul.f32 v4, v8  }
0x62: {  	v4 =	vmul.f32 $5.000000000e-01, v0;
	v8 =	vsub.s32 $0x5F3759DF, v33;
	v13 =	vmul.f32 v11, v13  }
0x63: {  	v20 =	vsub.bf16 v24, v20;
	v6 =	vsub.s32 $0x5F3759DF, v6;
	v22 =	vmul.f32 v8, v22  }
0x64: {  	v63 =	vmul.f32 v6, v4;
	v35 =	vmul.f32 v11, v13;
	v4 =	vld.idx.msk [tilespmem:v14+s6+$0x0], $0xffff;
	v14 =	vsub.f32 $1.500000000e+00, v25  }
0x65: {  	v19 =	vld.idx.msk [tilespmem:v19+s6+$0x0], $0xffff;
	v9 =	vsub.bf16 v10, v9;
	v10 =	vmul.f32 v8, v22;
	v22 =	vmul.bf16 v16, v16  }
0x66: {  	s26 =	simm.s32 $0x1B940;
	v13 =	vld.idx.msk [tilespmem:v15+s6+$0x0], $0xffff;
	v25 =	vsub.bf16 v62, v29;
	v29 =	vmul.f32 v7, v17;
	v18 =	vmul.f32 v32, v14  }
0x67: {  	[tilespmem:s26+$0xFFFFFFC0] =	vst v26;
	v16 =	vld.idx.msk [tilespmem:v12+s6+$0x0], $0xffff;
	v26 =	vsub.f32 $1.500000000e+00, v35;
	v9 =	vmul.bf16 v9, v9;
	v15 =	vsub.f32 $1.500000000e+00, v10  }
0x68: {  	s29 =	simm.s32 $0x8;
	s30 =	simm.s32 $0x1B9C0;
	[tilespmem:s26+$0x10] =	vst v28;
	v14 =	vld.idx.msk [tilespmem:v21+s6+$0x0], $0xffff;
	v12 =	vsub.f32 $1.500000000e+00, v29;
	v21 =	vmul.bf16 v25, v25;
	v25 =	vmul.f32 v6, v63  }
0x69: {  	s31 =	simm.s32 $0x18980;
	s28 =	simm.s32 $0x1B9C0;
	s25 =	sor.u32 s5, s24;
	[tilespmem:s26+$0xFFFFFFF0] =	vst v34;
	v17 =	vld.idx.msk [tilespmem:v27+s6+$0x0], $0xffff;
	v24 =	vunpack.i.u.bf16.f32 v9;
	v27 =	vunpack.i.l.bf16.f32 v9;
	v9 =	vunpack.i.l.bf16.f32 v22  }
.LBB2_3:
0x6a: {  	v10 =	vld [tilespmem:s31+$0x10];
	s29 =	sadd.s32 $0x8, s29;
	v24 =	vadd.f32 v27, v24;
	v23 =	vmul.bf16 v23, v23;
	s30 =	sadd.s32 $0x80, s30;
	v25 =	vsub.f32 $1.500000000e+00, v25  }
0x6b: {  	v28 =	vunpack.i.u.bf16.f32 v21;
	v22 =	vunpack.i.u.bf16.f32 v22;
	v27 =	vld [tilespmem:s31+$0x20];
	p3 =	slt.u32 s29, $0xC0;
	v11 =	vmul.f32 v11, v26  }
0x6c: {  	v7 =	vmul.f32 v7, v12;
	v22 =	vadd.f32 v9, v22;
	v26 =	vld [tilespmem:s31+$0xFFFFFF80];
	v29 =	vshra.s32 v24, $0x1  }
0x6d: {  	v30 =	vmul.f32 $5.000000000e-01, v24;
	v31 =	vunpack.i.l.bf16.f32 v23;
	v9 =	vld [tilespmem:s31+$0x60];
	v5 =	vmul.f32 v11, v5  }
0x6e: {  	v1 =	vmul.f32 v7, v1;
	v11 =	vsub.s32 $0x5F3759DF, v29;
	v29 =	vmul.f32 $5.000000000e-01, v22;
	v32 =	vld [tilespmem:s31+$0x70]  }
0x6f: {  	v20 =	vmul.bf16 v20, v20;
	v7 =	vmul.f32 v11, v30;
	v30 =	vshra.s32 v22, $0x1;
	v12 =	vld [tilespmem:s31+$0xFFFFFFE0];
	[tilespmem:s26+$0x30] =	vst v5  }
0x70: {  	v13 =	vsub.bf16 v13, v4;
	v4 =	vunpack.i.l.bf16.f32 v21;
	v5 =	vsub.bf16 v17, v16;
	v33 =	vld [tilespmem:s31+$0x50];
	[tilespmem:s26+$0x0] =	vst v1  }
0x71: {  	v2 =	vmul.f32 v18, v2;
	v1 =	vmul.f32 v11, v7;
	v7 =	vsub.s32 $0x5F3759DF, v30;
	v16 =	vld [tilespmem:s31+$0x0]  }
0x72: {  	v8 =	vmul.f32 v8, v15;
	v18 =	vadd.f32 v4, v28;
	v21 =	vmul.f32 v7, v29;
	v17 =	vld [tilespmem:s31+$0xFFFFFFF0]  }
0x73: {  	v14 =	vsub.bf16 v14, v19;
	v19 =	vunpack.i.u.bf16.f32 v23;
	v1 =	vsub.f32 $1.500000000e+00, v1;
	v15 =	vld [tilespmem:s31+$0xFFFFFFD0];
	[tilespmem:s26+$0xFFFFFFE0] =	vst v2  }
0x74: {  	v3 =	vmul.f32 v8, v3;
	v2 =	vunpack.i.u.bf16.f32 v20;
	v21 =	vmul.f32 v7, v21;
	v4 =	vld.idx.msk [tilespmem:v27+s6+$0x0], $0xffff  }
0x75: {  	v1 =	vmul.f32 v11, v1;
	v11 =	vmul.bf16 v5, v5;
	v5 =	vunpack.i.l.bf16.f32 v20;
	v8 =	vld [tilespmem:s31+$0x40]  }
0x76: {  	v13 =	vmul.bf16 v13, v13;
	v21 =	vsub.f32 $1.500000000e+00, v21;
	v20 =	vld [tilespmem:s31+$0xFFFFFFC0];
	[tilespmem:s26+$0xFFFFFFD0] =	vst v3;
	v3 =	vmul.f32 v6, v25  }
0x77: {  	v23 =	vmul.f32 v1, v24;
	v24 =	vmul.f32 $5.000000000e-01, v18;
	v1 =	vadd.f32 v5, v2;
	v6 =	vld [tilespmem:s31+$0xFFFFFFB0]  }
0x78: {  	v27 =	vunpack.i.l.bf16.f32 v11;
	v2 =	vunpack.i.u.bf16.f32 v13;
	v7 =	vmul.f32 v7, v21;
	v25 =	vld [tilespmem:s31+$0xFFFFFFA0]  }
0x79: {  	v14 =	vmul.bf16 v14, v14;
	v5 =	vadd.f32 v31, v19;
	v21 =	vld [tilespmem:s31+$0x30];
	[tilespmem:s28+$0xFFFFFFC0] =	vst v23;
	v23 =	vshra.s32 v18, $0x1  }
0x7a: {  	v0 =	vmul.f32 v3, v0;
	v22 =	vmul.f32 v7, v22;
	v19 =	vld.idx.msk [tilespmem:v33+s6+$0x0], $0xffff;
	v23 =	vsub.s32 $0x5F3759DF, v23  }
0x7b: {  	v3 =	vunpack.i.l.bf16.f32 v13;
	v13 =	vunpack.i.u.bf16.f32 v14;
	v7 =	vshra.s32 v1, $0x1;
	v15 =	vld.idx.msk [tilespmem:v15+s6+$0x0], $0xffff  }
0x7c: {  	v2 =	vadd.f32 v3, v2;
	v3 =	vmul.f32 v23, v24;
	v28 =	vld.idx.msk [tilespmem:v16+s6+$0x0], $0xffff;
	v16 =	vmul.f32 $5.000000000e-01, v1;
	[tilespmem:s26+$0x20] =	vst v0;
	s26 =	smov.u32 s28;
	s28 =	smov.u32 s30  }
0x7d: {  	v7 =	vsub.s32 $0x5F3759DF, v7;
	v0 =	vunpack.i.u.bf16.f32 v11;
	v11 =	vunpack.i.l.bf16.f32 v14;
	v24 =	vld.idx.msk [tilespmem:v17+s6+$0x0], $0xffff;
	[tilespmem:s26+$0x10] =	vst v22  }
0x7e: {  	v14 =	vmul.f32 v23, v3;
	v17 =	vshra.s32 v5, $0x1;
	v29 =	vld.idx.msk [tilespmem:v8+s6+$0x0], $0xffff;
	v8 =	vshra.s32 v2, $0x1  }
0x7f: {  	v3 =	vadd.f32 v27, v0;
	v0 =	vadd.f32 v11, v13;
	v11 =	vsub.s32 $0x5F3759DF, v17;
	v22 =	vld [tilespmem:s31+$0xFFFFFF90]  }
0x80: {  	v13 =	vsub.f32 $1.500000000e+00, v14;
	v14 =	vmul.f32 $5.000000000e-01, v5;
	v27 =	vld.idx.msk [tilespmem:v6+s6+$0x0], $0xffff;
	v6 =	vmul.f32 $5.000000000e-01, v2  }
0x81: {  	v30 =	vmul.f32 v7, v16;
	v17 =	vld.idx.msk [tilespmem:v26+s6+$0x0], $0xffff;
	v26 =	vsub.s32 $0x5F3759DF, v8;
	v8 =	vshra.s32 v0, $0x1  }
0x82: {  	v16 =	vshra.s32 v3, $0x1;
	v13 =	vmul.f32 v23, v13;
	v23 =	vmul.f32 $5.000000000e-01, v0;
	v21 =	vld.idx.msk [tilespmem:v21+s6+$0x0], $0xffff  }
0x83: {  	v31 =	vmul.f32 $5.000000000e-01, v3;
	v33 =	vmul.f32 v26, v6;
	v6 =	vsub.s32 $0x5F3759DF, v8;
	v20 =	vld.idx.msk [tilespmem:v20+s6+$0x0], $0xffff  }
0x84: {  	v14 =	vmul.f32 v11, v14;
	v8 =	vsub.s32 $0x5F3759DF, v16;
	v18 =	vmul.f32 v13, v18;
	v32 =	vld.idx.msk [tilespmem:v32+s6+$0x0], $0xffff  }
0x85: {  	v15 =	vsub.bf16 v15, v19;
	v19 =	vmul.f32 v8, v31;
	v13 =	vld.idx.msk [tilespmem:v25+s6+$0x0], $0xffff;
	v25 =	vmul.f32 v26, v33  }
0x86: {  	v31 =	vmul.f32 v11, v14;
	v16 =	vld.idx.msk [tilespmem:v10+s6+$0x0], $0xffff;
	[tilespmem:s26+$0xFFFFFFF0] =	vst v18;
	v10 =	vmul.f32 v6, v23  }
0x87: {  	v19 =	vmul.f32 v8, v19;
	v18 =	vsub.bf16 v17, v28;
	v17 =	vld.idx.msk [tilespmem:v22+s6+$0x0], $0xffff;
	v25 =	vsub.f32 $1.500000000e+00, v25  }
.Ltmp2:
0x88: {  	v21 =	vsub.bf16 v27, v21;
	v22 =	vmul.bf16 v15, v15;
	v14 =	vld.idx.msk [tilespmem:v12+s6+$0x0], $0xffff;
	v12 =	vmul.f32 v7, v30;
	(pc) =	sbr.rel @p3 .LBB2_3-.Ltmp2, $4  }
0x89: {  	v15 =	vsub.f32 $1.500000000e+00, v19;
	v27 =	vmul.bf16 v18, v18;
	v20 =	vsub.bf16 v20, v29  }
0x8a: {  	v23 =	vsub.bf16 v24, v32;
	v18 =	vmul.f32 v26, v25;
	v12 =	vsub.f32 $1.500000000e+00, v12  }
0x8b: {  	v21 =	vmul.bf16 v21, v21;
	v25 =	vmul.f32 v6, v10;
	v24 =	vunpack.i.u.bf16.f32 v27;
	v19 =	vld.idx.msk [tilespmem:v9+s6+$0x0], $0xffff  }
0x8c: {  	s31 =	sadd.s32 $0x100, s31;
	v26 =	vsub.f32 $1.500000000e+00, v31;
	v27 =	vunpack.i.l.bf16.f32 v27;
	v9 =	vunpack.i.l.bf16.f32 v22  }
0x8d: {  	v10 =	vadd.f32 v27, v24  }
0x8e: {  	v23 =	vmul.bf16 v23, v23;
	v54 =	vsub.f32 $1.500000000e+00, v25;
	v22 =	vunpack.i.u.bf16.f32 v22  }
0x8f: {  	v55 =	vunpack.i.u.bf16.f32 v21;
	v7 =	vmul.f32 v7, v12;
	v62 =	vmul.bf16 v20, v20  }
0x90: {  	v16 =	vsub.bf16 v17, v16;
	v4 =	vsub.bf16 v13, v4;
	v2 =	vmul.f32 v18, v2  }
0x91: {  	v28 =	vunpack.i.l.bf16.f32 v21;
	v8 =	vmul.f32 v8, v15;
	v11 =	vmul.f32 v11, v26  }
0x92: {  	v9 =	vadd.f32 v9, v22;
	v17 =	vadd.f32 v28, v55;
	v56 =	vshra.s32 v10, $0x1  }
0x93: {  	v57 =	vmul.f32 $5.000000000e-01, v10;
	v60 =	vunpack.i.l.bf16.f32 v23;
	v1 =	vmul.f32 v7, v1  }
0x94: {  	v30 =	vunpack.i.u.bf16.f32 v23;
	v31 =	vunpack.i.u.bf16.f32 v62;
	v3 =	vmul.f32 v8, v3  }
0x95: {  	v32 =	vmul.bf16 v16, v16;
	v33 =	vunpack.i.l.bf16.f32 v62;
	v4 =	vmul.bf16 v4, v4  }
0x96: {  	v6 =	vmul.f32 v6, v54;
	v5 =	vmul.f32 v11, v5;
	v58 =	vsub.s32 $0x5F3759DF, v56  }
0x97: {  	v59 =	vmul.f32 $5.000000000e-01, v9;
	v63 =	vshra.s32 v9, $0x1;
	v14 =	vsub.bf16 v14, v19  }
0x98: {  	v35 =	vmul.f32 $5.000000000e-01, v17;
	v11 =	vadd.f32 v33, v31;
	v37 =	vshra.s32 v17, $0x1  }
0x99: {  	v15 =	vadd.f32 v60, v30;
	v61 =	vmul.f32 v58, v57;
	v27 =	vsub.s32 $0x5F3759DF, v63  }
0x9a: {  	v16 =	vunpack.i.l.bf16.f32 v32;
	v36 =	vunpack.i.u.bf16.f32 v4;
	v0 =	vmul.f32 v6, v0  }
0x9b: {  	v4 =	vunpack.i.l.bf16.f32 v4;
	v8 =	vunpack.i.u.bf16.f32 v32;
	v29 =	vmul.f32 v27, v59  }
0x9c: {  	v14 =	vmul.bf16 v14, v14;
	v38 =	vshra.s32 v11, $0x1;
	v4 =	vadd.f32 v4, v36  }
0x9d: {  	v40 =	vmul.f32 $5.000000000e-01, v11;
	v42 =	vshra.s32 v15, $0x1;
	v8 =	vadd.f32 v16, v8  }
0x9e: {  	v44 =	vmul.f32 $5.000000000e-01, v15;
	v7 =	vmul.f32 v58, v61;
	v6 =	vsub.s32 $0x5F3759DF, v38  }
0x9f: {  	v43 =	vsub.s32 $0x5F3759DF, v42;
	v18 =	vmul.f32 v27, v29;
	v39 =	vunpack.i.u.bf16.f32 v14  }
0xa0: {  	v41 =	vshra.s32 v4, $0x1;
	v45 =	vmul.f32 $5.000000000e-01, v4;
	v16 =	vmul.f32 v43, v44  }
0xa1: {  	v47 =	vshra.s32 v8, $0x1;
	v49 =	vmul.f32 $5.000000000e-01, v8;
	v34 =	vsub.f32 $1.500000000e+00, v18  }
0xa2: {  	v7 =	vsub.f32 $1.500000000e+00, v7;
	v19 =	vsub.s32 $0x5F3759DF, v41;
	v18 =	vmul.f32 v6, v40  }
0xa3: {  	v51 =	vsub.s32 $0x5F3759DF, v47;
	v50 =	vmul.f32 v19, v45;
	v12 =	vmul.f32 v27, v34  }
0xa4: {  	v14 =	vunpack.i.l.bf16.f32 v14;
	v16 =	vmul.f32 v43, v16;
	v53 =	vmul.f32 v51, v49  }
0xa5: {  	v7 =	vmul.f32 v58, v7;
	v9 =	vmul.f32 v12, v9;
	v12 =	vadd.f32 v14, v39  }
0xa6: {  	v13 =	vsub.s32 $0x5F3759DF, v37;
	v18 =	vmul.f32 v6, v18;
	v54 =	vmul.f32 v19, v50  }
0xa7: {  	[tilespmem:s26+$0xFFFFFFE0] =	vst v2;
	v16 =	vsub.f32 $1.500000000e+00, v16;
	v46 =	vshra.s32 v12, $0x1;
	v48 =	vmul.f32 $5.000000000e-01, v12  }
0xa8: {  	[tilespmem:s26+$0x0] =	vst v1;
	v7 =	vmul.f32 v7, v10;
	v10 =	vmul.f32 v13, v35;
	v52 =	vsub.s32 $0x5F3759DF, v46  }
0xa9: {  	[tilespmem:s26+$0xFFFFFFD0] =	vst v3;
	v57 =	vmul.f32 v51, v53;
	v58 =	vsub.f32 $1.500000000e+00, v18;
	v55 =	vmul.f32 v52, v48  }
0xaa: {  	[tilespmem:s26+$0x30] =	vst v5;
	v2 =	vsub.f32 $1.500000000e+00, v54;
	v59 =	vmul.f32 v43, v16;
	v10 =	vmul.f32 v13, v10  }
0xab: {  	[tilespmem:s26+$0x20] =	vst v0;
	v61 =	vsub.f32 $1.500000000e+00, v57;
	v6 =	vmul.f32 v6, v58;
	v5 =	vmul.f32 v52, v55  }
0xac: {  	[tilespmem:s28+$0xFFFFFFC0] =	vst v7;
	v2 =	vmul.f32 v19, v2;
	v7 =	vmul.f32 v59, v15;
	v10 =	vsub.f32 $1.500000000e+00, v10  }
0xad: {  	[tilespmem:s28+$0x10] =	vst v9;
	v3 =	vmul.f32 v51, v61;
	v62 =	vmul.f32 v6, v11;
	v5 =	vsub.f32 $1.500000000e+00, v5  }
0xae: {  	p3 =	sne.s32 @!p0 s22, $0x1E;
	[tilespmem:s28+$0x30] =	vst v7;
	v2 =	vmul.f32 v2, v4;
	v56 =	vmul.f32 v13, v10  }
0xaf: {  	p3 =	por p0, p3;
	v63 =	vmul.f32 v3, v8;
	[tilespmem:s28+$0x0] =	vst v62;
	v1 =	vmul.f32 v52, v5  }
.Ltmp3:
0xb0: {  	[tilespmem:s28+$0xFFFFFFE0] =	vst v2;
	v60 =	vmul.f32 v56, v17;
	(pc) =	sbr.rel @p3 .LBB2_6-.Ltmp3, $4  }
0xb1: {  	s25 =	smul.u32 $0x190, s25;
	[tilespmem:s28+$0xFFFFFFD0] =	vst v63;
	v1 =	vmul.f32 v1, v12  }
0xb2: {  	[tilespmem:s28+$0xFFFFFFF0] =	vst v60  }
0xb3: {  	s25 =	sadd.s32 s4, s25;
	[tilespmem:s28+$0x20] =	vst v1  }
0xb4: {  	[hbm4b:s25+s6] =	stream.linear.scatter [tilespmem:s16], [sflag:$0x3], $0xC80, $0x38;
	[tilespmem:$0x1D200] =	vst v63  }
.Ltmp4:
0xb5: {  	(pc) =	sbr.rel .LBB2_7-.Ltmp4, $4  }
0xb6: {  	_ = 	snop  }
0xb7: {  	_ =	swait.ge [sflag:s17], $0x1900  }
0xb8: {  	[sflag:s17] =	ssyncset.done $0x0  }
0xb9: {  	[sflag:s17] =	ssyncadd.s32 $0xFFFFE700  }
.LBB2_6:
0xba: {  	s24 =	sadd.s32 s9, s24  }
0xbb: {  	s24 =	smul.u32 $0x320, s24;
	_ =	sdelay $0x1  }
.Ltmp5:
0xbc: {  	s24 =	sadd.s32 s3, s24;
	(pc) =	sbr.rel @p2 .LBB2_8-.Ltmp5, $4  }
0xbd: {  	[tilespmem:s12], [sflag:$0x1] =	stream.linear.gather [hbm4b:s24+s6], $0x1900, $0x38;
	[tilespmem:$0x1D200] =	vst v63  }
0xbe: {  	_ =	swait.ge [sflag:s17], $0x1900  }
0xbf: {  	[sflag:s17] =	ssyncset.done $0x0  }
0xc0: {  	[sflag:s17] =	ssyncadd.s32 $0xFFFFE700  }
.LBB2_7:
0xc1: {  	_ =	swait.ge [sflag:s20], $0xC80  }
0xc2: {  	[sflag:s20] =	ssyncset.done $0x0  }
0xc3: {  	[sflag:s20] =	ssyncadd.s32 $0xFFFFF380  }
.LBB2_8:
0xc4: {  	s24 =	simm.s32 $0x1A080  }
0xc5: {  	v0 =	vld [tilespmem:s24+$0x10]  }
0xc6: {  	v1 =	vld [tilespmem:s24+$0x20]  }
0xc7: {  	v2 =	vld [tilespmem:s24+$0xFFFFFF80]  }
0xc8: {  	v3 =	vld [tilespmem:s24+$0x60]  }
0xc9: {  	v4 =	vld [tilespmem:s24+$0x70]  }
0xca: {  	v5 =	vld [tilespmem:s24+$0xFFFFFFE0]  }
0xcb: {  	v6 =	vld [tilespmem:s24+$0x50]  }
0xcc: {  	v7 =	vld [tilespmem:s24+$0x0]  }
0xcd: {  	v8 =	vld [tilespmem:s24+$0xFFFFFFF0]  }
0xce: {  	v9 =	vld [tilespmem:s24+$0xFFFFFFD0]  }
0xcf: {  	v10 =	vld [tilespmem:s24+$0x40]  }
0xd0: {  	v11 =	vld [tilespmem:s24+$0xFFFFFFC0]  }
0xd1: {  	v12 =	vld [tilespmem:s24+$0xFFFFFFB0]  }
0xd2: {  	v13 =	vld [tilespmem:s24+$0xFFFFFFA0]  }
0xd3: {  	v14 =	vld [tilespmem:s24+$0x30]  }
0xd4: {  	s31 =	simm.s32 $0x1A180;
	v15 =	vld [tilespmem:s24+$0xFFFFFF90]  }
0xd5: {  	v17 =	vld [tilespmem:s31+$0xFFFFFF80]  }
0xd6: {  	v19 =	vld [tilespmem:s31+$0x60]  }
0xd7: {  	v6 =	vld.idx.msk [tilespmem:v6+s6+$0x0], $0xffff  }
0xd8: {  	v9 =	vld.idx.msk [tilespmem:v9+s6+$0x0], $0xffff  }
0xd9: {  	v7 =	vld.idx.msk [tilespmem:v7+s6+$0x0], $0xffff  }
0xda: {  	v8 =	vld.idx.msk [tilespmem:v8+s6+$0x0], $0xffff  }
0xdb: {  	v2 =	vld.idx.msk [tilespmem:v2+s6+$0x0], $0xffff  }
0xdc: {  	v10 =	vld.idx.msk [tilespmem:v10+s6+$0x0], $0xffff  }
0xdd: {  	v12 =	vld.idx.msk [tilespmem:v12+s6+$0x0], $0xffff  }
0xde: {  	v14 =	vld.idx.msk [tilespmem:v14+s6+$0x0], $0xffff  }
0xdf: {  	v11 =	vld.idx.msk [tilespmem:v11+s6+$0x0], $0xffff  }
0xe0: {  	v4 =	vld.idx.msk [tilespmem:v4+s6+$0x0], $0xffff  }
0xe1: {  	v24 =	vld [tilespmem:s31+$0xFFFFFFC0]  }
0xe2: {  	v29 =	vld [tilespmem:s31+$0x30];
	v2 =	vsub.bf16 v2, v7  }
0xe3: {  	v1 =	vld.idx.msk [tilespmem:v1+s6+$0x0], $0xffff;
	v6 =	vsub.bf16 v9, v6  }
0xe4: {  	v7 =	vld.idx.msk [tilespmem:v13+s6+$0x0], $0xffff;
	v12 =	vsub.bf16 v12, v14;
	v2 =	vmul.bf16 v2, v2  }
0xe5: {  	v0 =	vld.idx.msk [tilespmem:v0+s6+$0x0], $0xffff;
	v4 =	vsub.bf16 v8, v4;
	v10 =	vsub.bf16 v11, v10;
	v6 =	vmul.bf16 v6, v6  }
0xe6: {  	v5 =	vld.idx.msk [tilespmem:v5+s6+$0x0], $0xffff;
	v8 =	vmul.bf16 v12, v12;
	v13 =	vunpack.i.u.bf16.f32 v2;
	v2 =	vunpack.i.l.bf16.f32 v2  }
0xe7: {  	v3 =	vld.idx.msk [tilespmem:v3+s6+$0x0], $0xffff;
	v2 =	vadd.f32 v2, v13;
	v13 =	vunpack.i.l.bf16.f32 v6;
	v6 =	vunpack.i.u.bf16.f32 v6  }
0xe8: {  	v9 =	vld.idx.msk [tilespmem:v15+s6+$0x0], $0xffff;
	v11 =	vunpack.i.u.bf16.f32 v8;
	v8 =	vunpack.i.l.bf16.f32 v8;
	v6 =	vadd.f32 v13, v6  }
0xe9: {  	v18 =	vld [tilespmem:s31+$0x70];
	v1 =	vsub.bf16 v7, v1;
	v15 =	vshra.s32 v2, $0x1;
	v16 =	vmul.f32 $5.000000000e-01, v2  }
0xea: {  	v23 =	vld [tilespmem:s31+$0x50];
	v15 =	vsub.s32 $0x5F3759DF, v15;
	v20 =	vmul.f32 $5.000000000e-01, v6;
	v22 =	vshra.s32 v6, $0x1  }
0xeb: {  	v8 =	vadd.f32 v8, v11;
	v11 =	vld [tilespmem:s31+$0xFFFFFFD0];
	v13 =	vmul.f32 v15, v16;
	v7 =	vsub.s32 $0x5F3759DF, v22  }
0xec: {  	v21 =	vld [tilespmem:s31+$0xFFFFFFE0];
	v3 =	vsub.bf16 v5, v3;
	v4 =	vmul.bf16 v4, v4;
	v20 =	vmul.f32 v7, v20  }
0xed: {  	v29 =	vld.idx.msk [tilespmem:v29+s6+$0x0], $0xffff;
	v10 =	vmul.bf16 v10, v10;
	v0 =	vsub.bf16 v9, v0;
	v13 =	vmul.f32 v15, v13  }
0xee: {  	v24 =	vld.idx.msk [tilespmem:v24+s6+$0x0], $0xffff;
	v3 =	vmul.bf16 v3, v3;
	v5 =	vmul.f32 v7, v20  }
0xef: {  	v0 =	vmul.bf16 v0, v0;
	v25 =	vmul.bf16 v1, v1;
	v22 =	vld [tilespmem:s31+$0xFFFFFFF0];
	v13 =	vsub.f32 $1.500000000e+00, v13  }
0xf0: {  	v9 =	vld [tilespmem:s31+$0x0];
	v28 =	vshra.s32 v8, $0x1;
	v16 =	vunpack.i.l.bf16.f32 v4;
	v5 =	vsub.f32 $1.500000000e+00, v5  }
0xf1: {  	v4 =	vunpack.i.u.bf16.f32 v4;
	v20 =	vld [tilespmem:s31+$0x40];
	v13 =	vmul.f32 v15, v13;
	v15 =	vunpack.i.u.bf16.f32 v10  }
0xf2: {  	v10 =	vunpack.i.l.bf16.f32 v10;
	v7 =	vmul.f32 v7, v5;
	v5 =	vadd.f32 v16, v4;
	v16 =	vld.idx.msk [tilespmem:v23+s6+$0x0], $0xffff  }
0xf3: {  	v27 =	vunpack.i.u.bf16.f32 v25;
	v1 =	vadd.f32 v10, v15;
	v10 =	vunpack.i.l.bf16.f32 v0;
	v23 =	vld.idx.msk [tilespmem:v11+s6+$0x0], $0xffff  }
0xf4: {  	v4 =	vsub.s32 $0x5F3759DF, v28;
	v26 =	vmul.f32 v13, v2;
	v13 =	vld [tilespmem:s31+$0xFFFFFFB0];
	v2 =	vmul.f32 $5.000000000e-01, v8  }
0xf5: {  	v18 =	vld.idx.msk [tilespmem:v18+s6+$0x0], $0xffff;
	v0 =	vunpack.i.u.bf16.f32 v0;
	v28 =	vmul.f32 v7, v6;
	v6 =	vunpack.i.l.bf16.f32 v25  }
0xf6: {  	v14 =	vld [tilespmem:s31+$0x20];
	v11 =	vshra.s32 v1, $0x1;
	v25 =	vunpack.i.u.bf16.f32 v3;
	v7 =	vmul.f32 v4, v2  }
0xf7: {  	v30 =	vld.idx.msk [tilespmem:v22+s6+$0x0], $0xffff;
	v31 =	vshra.s32 v5, $0x1;
	v2 =	vadd.f32 v6, v27;
	v6 =	vmul.f32 $5.000000000e-01, v1  }
0xf8: {  	v12 =	vld [tilespmem:s31+$0x10];
	v27 =	vmul.f32 v4, v7;
	v7 =	vsub.s32 $0x5F3759DF, v11;
	v11 =	vunpack.i.l.bf16.f32 v3  }
0xf9: {  	v9 =	vld.idx.msk [tilespmem:v9+s6+$0x0], $0xffff;
	v22 =	vshra.s32 v2, $0x1;
	v3 =	vadd.f32 v10, v0;
	v16 =	vsub.bf16 v23, v16  }
0xfa: {  	v15 =	vld [tilespmem:s31+$0xFFFFFFA0];
	v0 =	vadd.f32 v11, v25;
	v25 =	vmul.f32 $5.000000000e-01, v2;
	v10 =	vsub.f32 $1.500000000e+00, v27  }
0xfb: {  	v20 =	vld.idx.msk [tilespmem:v20+s6+$0x0], $0xffff;
	v11 =	vsub.s32 $0x5F3759DF, v31;
	v32 =	vsub.s32 $0x5F3759DF, v22;
	v22 =	vmul.f32 $5.000000000e-01, v3  }
0xfc: {  	v23 =	vsub.bf16 v30, v18;
	v25 =	vmul.f32 v32, v25;
	v62 =	vld.idx.msk [tilespmem:v13+s6+$0x0], $0xffff;
	v4 =	vmul.f32 v4, v10  }
0xfd: {  	v33 =	vshra.s32 v3, $0x1;
	v13 =	vmul.f32 $5.000000000e-01, v5;
	v10 =	vld.idx.msk [tilespmem:v17+s6+$0x0], $0xffff;
	v17 =	vmul.f32 v7, v6  }
0xfe: {  	v27 =	vld [tilespmem:s31+$0xFFFFFF90];
	v6 =	vshra.s32 v0, $0x1;
	v25 =	vmul.f32 v32, v25;
	v34 =	vmul.f32 v4, v8  }
0xff: {  	v4 =	vmul.f32 $5.000000000e-01, v0;
	v8 =	vsub.s32 $0x5F3759DF, v33;
	v13 =	vmul.f32 v11, v13  }
0x100: {  	v20 =	vsub.bf16 v24, v20;
	v6 =	vsub.s32 $0x5F3759DF, v6;
	v22 =	vmul.f32 v8, v22  }
0x101: {  	v63 =	vmul.f32 v6, v4;
	v35 =	vmul.f32 v11, v13;
	v4 =	vld.idx.msk [tilespmem:v14+s6+$0x0], $0xffff;
	v14 =	vsub.f32 $1.500000000e+00, v25  }
0x102: {  	v19 =	vld.idx.msk [tilespmem:v19+s6+$0x0], $0xffff;
	v9 =	vsub.bf16 v10, v9;
	v10 =	vmul.f32 v8, v22;
	v22 =	vmul.bf16 v16, v16  }
0x103: {  	s24 =	simm.s32 $0x1C5C0;
	v13 =	vld.idx.msk [tilespmem:v15+s6+$0x0], $0xffff;
	v25 =	vsub.bf16 v62, v29;
	v29 =	vmul.f32 v7, v17;
	v18 =	vmul.f32 v32, v14  }
0x104: {  	[tilespmem:s24+$0xFFFFFFC0] =	vst v26;
	v16 =	vld.idx.msk [tilespmem:v12+s6+$0x0], $0xffff;
	v26 =	vsub.f32 $1.500000000e+00, v35;
	v9 =	vmul.bf16 v9, v9;
	v15 =	vsub.f32 $1.500000000e+00, v10  }
0x105: {  	s26 =	simm.s32 $0x8;
	[tilespmem:s24+$0x10] =	vst v28;
	v14 =	vld.idx.msk [tilespmem:v21+s6+$0x0], $0xffff;
	v12 =	vsub.f32 $1.500000000e+00, v29;
	v21 =	vmul.bf16 v25, v25;
	v25 =	vmul.f32 v6, v63  }
0x106: {  	s28 =	simm.s32 $0x1C640;
	s29 =	simm.s32 $0x1A280;
	s25 =	simm.s32 $0x1C640;
	[tilespmem:s24+$0xFFFFFFF0] =	vst v34;
	v17 =	vld.idx.msk [tilespmem:v27+s6+$0x0], $0xffff;
	v24 =	vunpack.i.u.bf16.f32 v9;
	v27 =	vunpack.i.l.bf16.f32 v9;
	v9 =	vunpack.i.l.bf16.f32 v22  }
.LBB2_9:
0x107: {  	v10 =	vld [tilespmem:s29+$0x10];
	s26 =	sadd.s32 $0x8, s26;
	v24 =	vadd.f32 v27, v24;
	v23 =	vmul.bf16 v23, v23;
	s28 =	sadd.s32 $0x80, s28;
	v25 =	vsub.f32 $1.500000000e+00, v25  }
0x108: {  	v28 =	vunpack.i.u.bf16.f32 v21;
	v22 =	vunpack.i.u.bf16.f32 v22;
	v27 =	vld [tilespmem:s29+$0x20];
	p2 =	slt.u32 s26, $0xC0;
	v11 =	vmul.f32 v11, v26  }
0x109: {  	v7 =	vmul.f32 v7, v12;
	v22 =	vadd.f32 v9, v22;
	v26 =	vld [tilespmem:s29+$0xFFFFFF80];
	v29 =	vshra.s32 v24, $0x1  }
0x10a: {  	v30 =	vmul.f32 $5.000000000e-01, v24;
	v31 =	vunpack.i.l.bf16.f32 v23;
	v9 =	vld [tilespmem:s29+$0x60];
	v5 =	vmul.f32 v11, v5  }
0x10b: {  	v1 =	vmul.f32 v7, v1;
	v11 =	vsub.s32 $0x5F3759DF, v29;
	v29 =	vmul.f32 $5.000000000e-01, v22;
	v32 =	vld [tilespmem:s29+$0x70]  }
0x10c: {  	v20 =	vmul.bf16 v20, v20;
	v7 =	vmul.f32 v11, v30;
	v30 =	vshra.s32 v22, $0x1;
	v12 =	vld [tilespmem:s29+$0xFFFFFFE0];
	[tilespmem:s24+$0x30] =	vst v5  }
0x10d: {  	v13 =	vsub.bf16 v13, v4;
	v4 =	vunpack.i.l.bf16.f32 v21;
	v5 =	vsub.bf16 v17, v16;
	v33 =	vld [tilespmem:s29+$0x50];
	[tilespmem:s24+$0x0] =	vst v1  }
0x10e: {  	v2 =	vmul.f32 v18, v2;
	v1 =	vmul.f32 v11, v7;
	v7 =	vsub.s32 $0x5F3759DF, v30;
	v16 =	vld [tilespmem:s29+$0x0]  }
0x10f: {  	v8 =	vmul.f32 v8, v15;
	v18 =	vadd.f32 v4, v28;
	v21 =	vmul.f32 v7, v29;
	v17 =	vld [tilespmem:s29+$0xFFFFFFF0]  }
0x110: {  	v14 =	vsub.bf16 v14, v19;
	v19 =	vunpack.i.u.bf16.f32 v23;
	v1 =	vsub.f32 $1.500000000e+00, v1;
	v15 =	vld [tilespmem:s29+$0xFFFFFFD0];
	[tilespmem:s24+$0xFFFFFFE0] =	vst v2  }
0x111: {  	v3 =	vmul.f32 v8, v3;
	v2 =	vunpack.i.u.bf16.f32 v20;
	v21 =	vmul.f32 v7, v21;
	v4 =	vld.idx.msk [tilespmem:v27+s6+$0x0], $0xffff  }
0x112: {  	v1 =	vmul.f32 v11, v1;
	v11 =	vmul.bf16 v5, v5;
	v5 =	vunpack.i.l.bf16.f32 v20;
	v8 =	vld [tilespmem:s29+$0x40]  }
0x113: {  	v13 =	vmul.bf16 v13, v13;
	v21 =	vsub.f32 $1.500000000e+00, v21;
	v20 =	vld [tilespmem:s29+$0xFFFFFFC0];
	[tilespmem:s24+$0xFFFFFFD0] =	vst v3;
	v3 =	vmul.f32 v6, v25  }
0x114: {  	v23 =	vmul.f32 v1, v24;
	v24 =	vmul.f32 $5.000000000e-01, v18;
	v1 =	vadd.f32 v5, v2;
	v6 =	vld [tilespmem:s29+$0xFFFFFFB0]  }
0x115: {  	v27 =	vunpack.i.l.bf16.f32 v11;
	v2 =	vunpack.i.u.bf16.f32 v13;
	v7 =	vmul.f32 v7, v21;
	v25 =	vld [tilespmem:s29+$0xFFFFFFA0]  }
0x116: {  	v14 =	vmul.bf16 v14, v14;
	v5 =	vadd.f32 v31, v19;
	v21 =	vld [tilespmem:s29+$0x30];
	[tilespmem:s25+$0xFFFFFFC0] =	vst v23;
	v23 =	vshra.s32 v18, $0x1  }
0x117: {  	v0 =	vmul.f32 v3, v0;
	v22 =	vmul.f32 v7, v22;
	v19 =	vld.idx.msk [tilespmem:v33+s6+$0x0], $0xffff;
	v23 =	vsub.s32 $0x5F3759DF, v23  }
0x118: {  	v3 =	vunpack.i.l.bf16.f32 v13;
	v13 =	vunpack.i.u.bf16.f32 v14;
	v7 =	vshra.s32 v1, $0x1;
	v15 =	vld.idx.msk [tilespmem:v15+s6+$0x0], $0xffff  }
0x119: {  	v2 =	vadd.f32 v3, v2;
	v3 =	vmul.f32 v23, v24;
	v28 =	vld.idx.msk [tilespmem:v16+s6+$0x0], $0xffff;
	v16 =	vmul.f32 $5.000000000e-01, v1;
	[tilespmem:s24+$0x20] =	vst v0;
	s24 =	smov.u32 s25;
	s25 =	smov.u32 s28  }
0x11a: {  	v7 =	vsub.s32 $0x5F3759DF, v7;
	v0 =	vunpack.i.u.bf16.f32 v11;
	v11 =	vunpack.i.l.bf16.f32 v14;
	v24 =	vld.idx.msk [tilespmem:v17+s6+$0x0], $0xffff;
	[tilespmem:s24+$0x10] =	vst v22  }
0x11b: {  	v14 =	vmul.f32 v23, v3;
	v17 =	vshra.s32 v5, $0x1;
	v29 =	vld.idx.msk [tilespmem:v8+s6+$0x0], $0xffff;
	v8 =	vshra.s32 v2, $0x1  }
0x11c: {  	v3 =	vadd.f32 v27, v0;
	v0 =	vadd.f32 v11, v13;
	v11 =	vsub.s32 $0x5F3759DF, v17;
	v22 =	vld [tilespmem:s29+$0xFFFFFF90]  }
0x11d: {  	v13 =	vsub.f32 $1.500000000e+00, v14;
	v14 =	vmul.f32 $5.000000000e-01, v5;
	v27 =	vld.idx.msk [tilespmem:v6+s6+$0x0], $0xffff;
	v6 =	vmul.f32 $5.000000000e-01, v2  }
0x11e: {  	v30 =	vmul.f32 v7, v16;
	v17 =	vld.idx.msk [tilespmem:v26+s6+$0x0], $0xffff;
	v26 =	vsub.s32 $0x5F3759DF, v8;
	v8 =	vshra.s32 v0, $0x1  }
0x11f: {  	v16 =	vshra.s32 v3, $0x1;
	v13 =	vmul.f32 v23, v13;
	v23 =	vmul.f32 $5.000000000e-01, v0;
	v21 =	vld.idx.msk [tilespmem:v21+s6+$0x0], $0xffff  }
0x120: {  	v31 =	vmul.f32 $5.000000000e-01, v3;
	v33 =	vmul.f32 v26, v6;
	v6 =	vsub.s32 $0x5F3759DF, v8;
	v20 =	vld.idx.msk [tilespmem:v20+s6+$0x0], $0xffff  }
0x121: {  	v14 =	vmul.f32 v11, v14;
	v8 =	vsub.s32 $0x5F3759DF, v16;
	v18 =	vmul.f32 v13, v18;
	v32 =	vld.idx.msk [tilespmem:v32+s6+$0x0], $0xffff  }
0x122: {  	v15 =	vsub.bf16 v15, v19;
	v19 =	vmul.f32 v8, v31;
	v13 =	vld.idx.msk [tilespmem:v25+s6+$0x0], $0xffff;
	v25 =	vmul.f32 v26, v33  }
0x123: {  	v31 =	vmul.f32 v11, v14;
	v16 =	vld.idx.msk [tilespmem:v10+s6+$0x0], $0xffff;
	[tilespmem:s24+$0xFFFFFFF0] =	vst v18;
	v10 =	vmul.f32 v6, v23  }
0x124: {  	v19 =	vmul.f32 v8, v19;
	v18 =	vsub.bf16 v17, v28;
	v17 =	vld.idx.msk [tilespmem:v22+s6+$0x0], $0xffff;
	v25 =	vsub.f32 $1.500000000e+00, v25  }
.Ltmp6:
0x125: {  	v21 =	vsub.bf16 v27, v21;
	v22 =	vmul.bf16 v15, v15;
	v14 =	vld.idx.msk [tilespmem:v12+s6+$0x0], $0xffff;
	v12 =	vmul.f32 v7, v30;
	(pc) =	sbr.rel @p2 .LBB2_9-.Ltmp6, $4  }
0x126: {  	v15 =	vsub.f32 $1.500000000e+00, v19;
	v27 =	vmul.bf16 v18, v18;
	v20 =	vsub.bf16 v20, v29  }
0x127: {  	v23 =	vsub.bf16 v24, v32;
	v18 =	vmul.f32 v26, v25;
	v12 =	vsub.f32 $1.500000000e+00, v12  }
0x128: {  	v21 =	vmul.bf16 v21, v21;
	v25 =	vmul.f32 v6, v10;
	v24 =	vunpack.i.u.bf16.f32 v27;
	v19 =	vld.idx.msk [tilespmem:v9+s6+$0x0], $0xffff  }
0x129: {  	s29 =	sadd.s32 $0x100, s29;
	v26 =	vsub.f32 $1.500000000e+00, v31;
	v27 =	vunpack.i.l.bf16.f32 v27;
	v9 =	vunpack.i.l.bf16.f32 v22  }
0x12a: {  	v10 =	vadd.f32 v27, v24  }
0x12b: {  	v23 =	vmul.bf16 v23, v23;
	v54 =	vsub.f32 $1.500000000e+00, v25;
	v22 =	vunpack.i.u.bf16.f32 v22  }
0x12c: {  	v55 =	vunpack.i.u.bf16.f32 v21;
	v7 =	vmul.f32 v7, v12;
	v62 =	vmul.bf16 v20, v20  }
0x12d: {  	v16 =	vsub.bf16 v17, v16;
	v4 =	vsub.bf16 v13, v4;
	v2 =	vmul.f32 v18, v2  }
0x12e: {  	v28 =	vunpack.i.l.bf16.f32 v21;
	v8 =	vmul.f32 v8, v15;
	v11 =	vmul.f32 v11, v26  }
0x12f: {  	v9 =	vadd.f32 v9, v22;
	v17 =	vadd.f32 v28, v55;
	v56 =	vshra.s32 v10, $0x1  }
0x130: {  	v57 =	vmul.f32 $5.000000000e-01, v10;
	v60 =	vunpack.i.l.bf16.f32 v23;
	v1 =	vmul.f32 v7, v1  }
0x131: {  	v30 =	vunpack.i.u.bf16.f32 v23;
	v31 =	vunpack.i.u.bf16.f32 v62;
	v3 =	vmul.f32 v8, v3  }
0x132: {  	v32 =	vmul.bf16 v16, v16;
	v33 =	vunpack.i.l.bf16.f32 v62;
	v4 =	vmul.bf16 v4, v4  }
0x133: {  	v6 =	vmul.f32 v6, v54;
	v5 =	vmul.f32 v11, v5;
	v58 =	vsub.s32 $0x5F3759DF, v56  }
0x134: {  	v59 =	vmul.f32 $5.000000000e-01, v9;
	v63 =	vshra.s32 v9, $0x1;
	v14 =	vsub.bf16 v14, v19  }
0x135: {  	v35 =	vmul.f32 $5.000000000e-01, v17;
	v11 =	vadd.f32 v33, v31;
	v37 =	vshra.s32 v17, $0x1  }
0x136: {  	v15 =	vadd.f32 v60, v30;
	v61 =	vmul.f32 v58, v57;
	v27 =	vsub.s32 $0x5F3759DF, v63  }
0x137: {  	v16 =	vunpack.i.l.bf16.f32 v32;
	v36 =	vunpack.i.u.bf16.f32 v4;
	v0 =	vmul.f32 v6, v0  }
0x138: {  	v4 =	vunpack.i.l.bf16.f32 v4;
	v8 =	vunpack.i.u.bf16.f32 v32;
	v29 =	vmul.f32 v27, v59  }
0x139: {  	v14 =	vmul.bf16 v14, v14;
	v38 =	vshra.s32 v11, $0x1;
	v4 =	vadd.f32 v4, v36  }
0x13a: {  	v40 =	vmul.f32 $5.000000000e-01, v11;
	v42 =	vshra.s32 v15, $0x1;
	v8 =	vadd.f32 v16, v8  }
0x13b: {  	v44 =	vmul.f32 $5.000000000e-01, v15;
	v7 =	vmul.f32 v58, v61;
	v6 =	vsub.s32 $0x5F3759DF, v38  }
0x13c: {  	v43 =	vsub.s32 $0x5F3759DF, v42;
	v18 =	vmul.f32 v27, v29;
	v39 =	vunpack.i.u.bf16.f32 v14  }
0x13d: {  	v41 =	vshra.s32 v4, $0x1;
	v45 =	vmul.f32 $5.000000000e-01, v4;
	v16 =	vmul.f32 v43, v44  }
0x13e: {  	v47 =	vshra.s32 v8, $0x1;
	v49 =	vmul.f32 $5.000000000e-01, v8;
	v34 =	vsub.f32 $1.500000000e+00, v18  }
0x13f: {  	v7 =	vsub.f32 $1.500000000e+00, v7;
	v19 =	vsub.s32 $0x5F3759DF, v41;
	v18 =	vmul.f32 v6, v40  }
0x140: {  	v51 =	vsub.s32 $0x5F3759DF, v47;
	v50 =	vmul.f32 v19, v45;
	v12 =	vmul.f32 v27, v34  }
0x141: {  	v14 =	vunpack.i.l.bf16.f32 v14;
	v16 =	vmul.f32 v43, v16;
	v53 =	vmul.f32 v51, v49  }
0x142: {  	v7 =	vmul.f32 v58, v7;
	v9 =	vmul.f32 v12, v9;
	v12 =	vadd.f32 v14, v39  }
0x143: {  	v13 =	vsub.s32 $0x5F3759DF, v37;
	v18 =	vmul.f32 v6, v18;
	v54 =	vmul.f32 v19, v50  }
0x144: {  	[tilespmem:s24+$0xFFFFFFE0] =	vst v2;
	v16 =	vsub.f32 $1.500000000e+00, v16;
	v46 =	vshra.s32 v12, $0x1;
	v48 =	vmul.f32 $5.000000000e-01, v12  }
0x145: {  	[tilespmem:s24+$0x0] =	vst v1;
	v7 =	vmul.f32 v7, v10;
	v10 =	vmul.f32 v13, v35;
	v52 =	vsub.s32 $0x5F3759DF, v46  }
0x146: {  	[tilespmem:s24+$0xFFFFFFD0] =	vst v3;
	v57 =	vmul.f32 v51, v53;
	v58 =	vsub.f32 $1.500000000e+00, v18;
	v55 =	vmul.f32 v52, v48  }
0x147: {  	[tilespmem:s24+$0x30] =	vst v5;
	v2 =	vsub.f32 $1.500000000e+00, v54;
	v59 =	vmul.f32 v43, v16;
	v10 =	vmul.f32 v13, v10  }
0x148: {  	[tilespmem:s24+$0x20] =	vst v0;
	v61 =	vsub.f32 $1.500000000e+00, v57;
	v6 =	vmul.f32 v6, v58;
	v5 =	vmul.f32 v52, v55  }
0x149: {  	[tilespmem:s25+$0xFFFFFFC0] =	vst v7;
	v2 =	vmul.f32 v19, v2;
	v7 =	vmul.f32 v59, v15;
	v10 =	vsub.f32 $1.500000000e+00, v10  }
0x14a: {  	[tilespmem:s25+$0x10] =	vst v9;
	v3 =	vmul.f32 v51, v61;
	v62 =	vmul.f32 v6, v11;
	v5 =	vsub.f32 $1.500000000e+00, v5  }
0x14b: {  	s22 =	sadd.s32 $0x1, s22;
	[tilespmem:s25+$0x30] =	vst v7;
	v2 =	vmul.f32 v2, v4;
	v56 =	vmul.f32 v13, v10  }
0x14c: {  	p2 =	sne.s32 s22, $0x1F;
	v63 =	vmul.f32 v3, v8;
	[tilespmem:s25+$0x0] =	vst v62;
	v1 =	vmul.f32 v52, v5  }
.Ltmp7:
0x14d: {  	[tilespmem:s25+$0xFFFFFFE0] =	vst v2;
	v60 =	vmul.f32 v56, v17;
	(pc) =	sbr.rel @p2 .LBB2_2-.Ltmp7, $4  }
0x14e: {  	s23 =	smul.u32 $0x190, s23;
	[tilespmem:s25+$0xFFFFFFD0] =	vst v63;
	v1 =	vmul.f32 v1, v12  }
0x14f: {  	[tilespmem:s25+$0xFFFFFFF0] =	vst v60  }
0x150: {  	s23 =	sadd.s32 s4, s23;
	[tilespmem:s25+$0x20] =	vst v1  }
0x151: {  	[hbm4b:s23+s6] =	stream.linear.scatter [tilespmem:s18], [sflag:$0x4], $0xC80, $0x38;
	[tilespmem:$0x1D200] =	vst v63  }
.Ltmp8:
0x152: {  	(pc) =	sbr.rel @p1 .LBB2_12-.Ltmp8, $1  }
0x153: {  	_ =	sdelay $0x3  }
0x154: {  	_ =	swait.ge [sflag:s15], $0x1900  }
0x155: {  	[sflag:s15] =	ssyncset.done $0x0  }
0x156: {  	[sflag:s15] =	ssyncadd.s32 $0xFFFFE700  }
0x157: {  	_ =	swait.ge [sflag:s19], $0xC80  }
0x158: {  	[sflag:s19] =	ssyncset.done $0x0  }
0x159: {  	s22 =	simm.s32 $0x18780;
	[sflag:s19] =	ssyncadd.s32 $0xFFFFF380  }
0x15a: {  	v0 =	vld [tilespmem:s22+$0x10]  }
0x15b: {  	v1 =	vld [tilespmem:s22+$0x20]  }
0x15c: {  	v2 =	vld [tilespmem:s22+$0xFFFFFF80]  }
0x15d: {  	v3 =	vld [tilespmem:s22+$0x60]  }
0x15e: {  	v4 =	vld [tilespmem:s22+$0x70]  }
0x15f: {  	v5 =	vld [tilespmem:s22+$0xFFFFFFE0]  }
0x160: {  	v6 =	vld [tilespmem:s22+$0x50]  }
0x161: {  	v7 =	vld [tilespmem:s22+$0x0]  }
0x162: {  	v8 =	vld [tilespmem:s22+$0xFFFFFFF0]  }
0x163: {  	v9 =	vld [tilespmem:s22+$0xFFFFFFD0]  }
0x164: {  	v10 =	vld [tilespmem:s22+$0x40]  }
0x165: {  	v11 =	vld [tilespmem:s22+$0xFFFFFFC0]  }
0x166: {  	v12 =	vld [tilespmem:s22+$0xFFFFFFB0]  }
0x167: {  	v13 =	vld [tilespmem:s22+$0xFFFFFFA0]  }
0x168: {  	v14 =	vld [tilespmem:s22+$0x30]  }
0x169: {  	s31 =	simm.s32 $0x18880;
	v15 =	vld [tilespmem:s22+$0xFFFFFF90]  }
0x16a: {  	v17 =	vld [tilespmem:s31+$0xFFFFFF80]  }
0x16b: {  	v19 =	vld [tilespmem:s31+$0x60]  }
0x16c: {  	v6 =	vld.idx.msk [tilespmem:v6+s6+$0x0], $0xffff  }
0x16d: {  	v9 =	vld.idx.msk [tilespmem:v9+s6+$0x0], $0xffff  }
0x16e: {  	v7 =	vld.idx.msk [tilespmem:v7+s6+$0x0], $0xffff  }
0x16f: {  	v8 =	vld.idx.msk [tilespmem:v8+s6+$0x0], $0xffff  }
0x170: {  	v2 =	vld.idx.msk [tilespmem:v2+s6+$0x0], $0xffff  }
0x171: {  	v10 =	vld.idx.msk [tilespmem:v10+s6+$0x0], $0xffff  }
0x172: {  	v12 =	vld.idx.msk [tilespmem:v12+s6+$0x0], $0xffff  }
0x173: {  	v14 =	vld.idx.msk [tilespmem:v14+s6+$0x0], $0xffff  }
0x174: {  	v11 =	vld.idx.msk [tilespmem:v11+s6+$0x0], $0xffff  }
0x175: {  	v4 =	vld.idx.msk [tilespmem:v4+s6+$0x0], $0xffff  }
0x176: {  	v24 =	vld [tilespmem:s31+$0xFFFFFFC0]  }
0x177: {  	v29 =	vld [tilespmem:s31+$0x30];
	v2 =	vsub.bf16 v2, v7  }
0x178: {  	v1 =	vld.idx.msk [tilespmem:v1+s6+$0x0], $0xffff;
	v6 =	vsub.bf16 v9, v6  }
0x179: {  	v7 =	vld.idx.msk [tilespmem:v13+s6+$0x0], $0xffff;
	v12 =	vsub.bf16 v12, v14;
	v2 =	vmul.bf16 v2, v2  }
0x17a: {  	v0 =	vld.idx.msk [tilespmem:v0+s6+$0x0], $0xffff;
	v4 =	vsub.bf16 v8, v4;
	v10 =	vsub.bf16 v11, v10;
	v6 =	vmul.bf16 v6, v6  }
0x17b: {  	v5 =	vld.idx.msk [tilespmem:v5+s6+$0x0], $0xffff;
	v8 =	vmul.bf16 v12, v12;
	v13 =	vunpack.i.u.bf16.f32 v2;
	v2 =	vunpack.i.l.bf16.f32 v2  }
0x17c: {  	v3 =	vld.idx.msk [tilespmem:v3+s6+$0x0], $0xffff;
	v2 =	vadd.f32 v2, v13;
	v13 =	vunpack.i.l.bf16.f32 v6;
	v6 =	vunpack.i.u.bf16.f32 v6  }
0x17d: {  	v9 =	vld.idx.msk [tilespmem:v15+s6+$0x0], $0xffff;
	v11 =	vunpack.i.u.bf16.f32 v8;
	v8 =	vunpack.i.l.bf16.f32 v8;
	v6 =	vadd.f32 v13, v6  }
0x17e: {  	v18 =	vld [tilespmem:s31+$0x70];
	v1 =	vsub.bf16 v7, v1;
	v15 =	vshra.s32 v2, $0x1;
	v16 =	vmul.f32 $5.000000000e-01, v2  }
0x17f: {  	v23 =	vld [tilespmem:s31+$0x50];
	v15 =	vsub.s32 $0x5F3759DF, v15;
	v20 =	vmul.f32 $5.000000000e-01, v6;
	v22 =	vshra.s32 v6, $0x1  }
0x180: {  	v8 =	vadd.f32 v8, v11;
	v11 =	vld [tilespmem:s31+$0xFFFFFFD0];
	v13 =	vmul.f32 v15, v16;
	v7 =	vsub.s32 $0x5F3759DF, v22  }
0x181: {  	v21 =	vld [tilespmem:s31+$0xFFFFFFE0];
	v3 =	vsub.bf16 v5, v3;
	v4 =	vmul.bf16 v4, v4;
	v20 =	vmul.f32 v7, v20  }
0x182: {  	v29 =	vld.idx.msk [tilespmem:v29+s6+$0x0], $0xffff;
	v10 =	vmul.bf16 v10, v10;
	v0 =	vsub.bf16 v9, v0;
	v13 =	vmul.f32 v15, v13  }
0x183: {  	v24 =	vld.idx.msk [tilespmem:v24+s6+$0x0], $0xffff;
	v3 =	vmul.bf16 v3, v3;
	v5 =	vmul.f32 v7, v20  }
0x184: {  	v0 =	vmul.bf16 v0, v0;
	v25 =	vmul.bf16 v1, v1;
	v22 =	vld [tilespmem:s31+$0xFFFFFFF0];
	v13 =	vsub.f32 $1.500000000e+00, v13  }
0x185: {  	v9 =	vld [tilespmem:s31+$0x0];
	v28 =	vshra.s32 v8, $0x1;
	v16 =	vunpack.i.l.bf16.f32 v4;
	v5 =	vsub.f32 $1.500000000e+00, v5  }
0x186: {  	v4 =	vunpack.i.u.bf16.f32 v4;
	v20 =	vld [tilespmem:s31+$0x40];
	v13 =	vmul.f32 v15, v13;
	v15 =	vunpack.i.u.bf16.f32 v10  }
0x187: {  	v10 =	vunpack.i.l.bf16.f32 v10;
	v7 =	vmul.f32 v7, v5;
	v5 =	vadd.f32 v16, v4;
	v16 =	vld.idx.msk [tilespmem:v23+s6+$0x0], $0xffff  }
0x188: {  	v27 =	vunpack.i.u.bf16.f32 v25;
	v1 =	vadd.f32 v10, v15;
	v10 =	vunpack.i.l.bf16.f32 v0;
	v23 =	vld.idx.msk [tilespmem:v11+s6+$0x0], $0xffff  }
0x189: {  	v4 =	vsub.s32 $0x5F3759DF, v28;
	v26 =	vmul.f32 v13, v2;
	v13 =	vld [tilespmem:s31+$0xFFFFFFB0];
	v2 =	vmul.f32 $5.000000000e-01, v8  }
0x18a: {  	v18 =	vld.idx.msk [tilespmem:v18+s6+$0x0], $0xffff;
	v0 =	vunpack.i.u.bf16.f32 v0;
	v28 =	vmul.f32 v7, v6;
	v6 =	vunpack.i.l.bf16.f32 v25  }
0x18b: {  	v14 =	vld [tilespmem:s31+$0x20];
	v11 =	vshra.s32 v1, $0x1;
	v25 =	vunpack.i.u.bf16.f32 v3;
	v7 =	vmul.f32 v4, v2  }
0x18c: {  	v30 =	vld.idx.msk [tilespmem:v22+s6+$0x0], $0xffff;
	v31 =	vshra.s32 v5, $0x1;
	v2 =	vadd.f32 v6, v27;
	v6 =	vmul.f32 $5.000000000e-01, v1  }
0x18d: {  	v12 =	vld [tilespmem:s31+$0x10];
	v27 =	vmul.f32 v4, v7;
	v7 =	vsub.s32 $0x5F3759DF, v11;
	v11 =	vunpack.i.l.bf16.f32 v3  }
0x18e: {  	v9 =	vld.idx.msk [tilespmem:v9+s6+$0x0], $0xffff;
	v22 =	vshra.s32 v2, $0x1;
	v3 =	vadd.f32 v10, v0;
	v16 =	vsub.bf16 v23, v16  }
0x18f: {  	v15 =	vld [tilespmem:s31+$0xFFFFFFA0];
	v0 =	vadd.f32 v11, v25;
	v25 =	vmul.f32 $5.000000000e-01, v2;
	v10 =	vsub.f32 $1.500000000e+00, v27  }
0x190: {  	v20 =	vld.idx.msk [tilespmem:v20+s6+$0x0], $0xffff;
	v11 =	vsub.s32 $0x5F3759DF, v31;
	v32 =	vsub.s32 $0x5F3759DF, v22;
	v22 =	vmul.f32 $5.000000000e-01, v3  }
0x191: {  	v23 =	vsub.bf16 v30, v18;
	v25 =	vmul.f32 v32, v25;
	v62 =	vld.idx.msk [tilespmem:v13+s6+$0x0], $0xffff;
	v4 =	vmul.f32 v4, v10  }
0x192: {  	v33 =	vshra.s32 v3, $0x1;
	v13 =	vmul.f32 $5.000000000e-01, v5;
	v10 =	vld.idx.msk [tilespmem:v17+s6+$0x0], $0xffff;
	v17 =	vmul.f32 v7, v6  }
0x193: {  	v27 =	vld [tilespmem:s31+$0xFFFFFF90];
	v6 =	vshra.s32 v0, $0x1;
	v25 =	vmul.f32 v32, v25;
	v34 =	vmul.f32 v4, v8  }
0x194: {  	v4 =	vmul.f32 $5.000000000e-01, v0;
	v8 =	vsub.s32 $0x5F3759DF, v33;
	v13 =	vmul.f32 v11, v13  }
0x195: {  	v20 =	vsub.bf16 v24, v20;
	v6 =	vsub.s32 $0x5F3759DF, v6;
	v22 =	vmul.f32 v8, v22  }
0x196: {  	v63 =	vmul.f32 v6, v4;
	v35 =	vmul.f32 v11, v13;
	v4 =	vld.idx.msk [tilespmem:v14+s6+$0x0], $0xffff;
	v14 =	vsub.f32 $1.500000000e+00, v25  }
0x197: {  	v19 =	vld.idx.msk [tilespmem:v19+s6+$0x0], $0xffff;
	v9 =	vsub.bf16 v10, v9;
	v10 =	vmul.f32 v8, v22;
	v22 =	vmul.bf16 v16, v16  }
0x198: {  	s22 =	simm.s32 $0x1B940;
	v13 =	vld.idx.msk [tilespmem:v15+s6+$0x0], $0xffff;
	v25 =	vsub.bf16 v62, v29;
	v29 =	vmul.f32 v7, v17;
	v18 =	vmul.f32 v32, v14  }
0x199: {  	[tilespmem:s22+$0xFFFFFFC0] =	vst v26;
	v16 =	vld.idx.msk [tilespmem:v12+s6+$0x0], $0xffff;
	v26 =	vsub.f32 $1.500000000e+00, v35;
	v9 =	vmul.bf16 v9, v9;
	v15 =	vsub.f32 $1.500000000e+00, v10  }
0x19a: {  	s24 =	simm.s32 $0x8;
	[tilespmem:s22+$0x10] =	vst v28;
	v14 =	vld.idx.msk [tilespmem:v21+s6+$0x0], $0xffff;
	v12 =	vsub.f32 $1.500000000e+00, v29;
	v21 =	vmul.bf16 v25, v25;
	v25 =	vmul.f32 v6, v63  }
0x19b: {  	s25 =	simm.s32 $0x1B9C0;
	s26 =	simm.s32 $0x18980;
	s23 =	simm.s32 $0x1B9C0;
	[tilespmem:s22+$0xFFFFFFF0] =	vst v34;
	v17 =	vld.idx.msk [tilespmem:v27+s6+$0x0], $0xffff;
	v24 =	vunpack.i.u.bf16.f32 v9;
	v27 =	vunpack.i.l.bf16.f32 v9;
	v9 =	vunpack.i.l.bf16.f32 v22  }
.LBB2_14:
0x19c: {  	v10 =	vld [tilespmem:s26+$0x10];
	s24 =	sadd.s32 $0x8, s24;
	v24 =	vadd.f32 v27, v24;
	v23 =	vmul.bf16 v23, v23;
	s25 =	sadd.s32 $0x80, s25;
	v25 =	vsub.f32 $1.500000000e+00, v25  }
0x19d: {  	v28 =	vunpack.i.u.bf16.f32 v21;
	v22 =	vunpack.i.u.bf16.f32 v22;
	v27 =	vld [tilespmem:s26+$0x20];
	p2 =	slt.u32 s24, $0xC0;
	v11 =	vmul.f32 v11, v26  }
0x19e: {  	v7 =	vmul.f32 v7, v12;
	v22 =	vadd.f32 v9, v22;
	v26 =	vld [tilespmem:s26+$0xFFFFFF80];
	v29 =	vshra.s32 v24, $0x1  }
0x19f: {  	v30 =	vmul.f32 $5.000000000e-01, v24;
	v31 =	vunpack.i.l.bf16.f32 v23;
	v9 =	vld [tilespmem:s26+$0x60];
	v5 =	vmul.f32 v11, v5  }
0x1a0: {  	v1 =	vmul.f32 v7, v1;
	v11 =	vsub.s32 $0x5F3759DF, v29;
	v29 =	vmul.f32 $5.000000000e-01, v22;
	v32 =	vld [tilespmem:s26+$0x70]  }
0x1a1: {  	v20 =	vmul.bf16 v20, v20;
	v7 =	vmul.f32 v11, v30;
	v30 =	vshra.s32 v22, $0x1;
	v12 =	vld [tilespmem:s26+$0xFFFFFFE0];
	[tilespmem:s22+$0x30] =	vst v5  }
0x1a2: {  	v13 =	vsub.bf16 v13, v4;
	v4 =	vunpack.i.l.bf16.f32 v21;
	v5 =	vsub.bf16 v17, v16;
	v33 =	vld [tilespmem:s26+$0x50];
	[tilespmem:s22+$0x0] =	vst v1  }
0x1a3: {  	v2 =	vmul.f32 v18, v2;
	v1 =	vmul.f32 v11, v7;
	v7 =	vsub.s32 $0x5F3759DF, v30;
	v16 =	vld [tilespmem:s26+$0x0]  }
0x1a4: {  	v8 =	vmul.f32 v8, v15;
	v18 =	vadd.f32 v4, v28;
	v21 =	vmul.f32 v7, v29;
	v17 =	vld [tilespmem:s26+$0xFFFFFFF0]  }
0x1a5: {  	v14 =	vsub.bf16 v14, v19;
	v19 =	vunpack.i.u.bf16.f32 v23;
	v1 =	vsub.f32 $1.500000000e+00, v1;
	v15 =	vld [tilespmem:s26+$0xFFFFFFD0];
	[tilespmem:s22+$0xFFFFFFE0] =	vst v2  }
0x1a6: {  	v3 =	vmul.f32 v8, v3;
	v2 =	vunpack.i.u.bf16.f32 v20;
	v21 =	vmul.f32 v7, v21;
	v4 =	vld.idx.msk [tilespmem:v27+s6+$0x0], $0xffff  }
0x1a7: {  	v1 =	vmul.f32 v11, v1;
	v11 =	vmul.bf16 v5, v5;
	v5 =	vunpack.i.l.bf16.f32 v20;
	v8 =	vld [tilespmem:s26+$0x40]  }
0x1a8: {  	v13 =	vmul.bf16 v13, v13;
	v21 =	vsub.f32 $1.500000000e+00, v21;
	v20 =	vld [tilespmem:s26+$0xFFFFFFC0];
	[tilespmem:s22+$0xFFFFFFD0] =	vst v3;
	v3 =	vmul.f32 v6, v25  }
0x1a9: {  	v23 =	vmul.f32 v1, v24;
	v24 =	vmul.f32 $5.000000000e-01, v18;
	v1 =	vadd.f32 v5, v2;
	v6 =	vld [tilespmem:s26+$0xFFFFFFB0]  }
0x1aa: {  	v27 =	vunpack.i.l.bf16.f32 v11;
	v2 =	vunpack.i.u.bf16.f32 v13;
	v7 =	vmul.f32 v7, v21;
	v25 =	vld [tilespmem:s26+$0xFFFFFFA0]  }
0x1ab: {  	v14 =	vmul.bf16 v14, v14;
	v5 =	vadd.f32 v31, v19;
	v21 =	vld [tilespmem:s26+$0x30];
	[tilespmem:s23+$0xFFFFFFC0] =	vst v23;
	v23 =	vshra.s32 v18, $0x1  }
0x1ac: {  	v0 =	vmul.f32 v3, v0;
	v22 =	vmul.f32 v7, v22;
	v19 =	vld.idx.msk [tilespmem:v33+s6+$0x0], $0xffff;
	v23 =	vsub.s32 $0x5F3759DF, v23  }
0x1ad: {  	v3 =	vunpack.i.l.bf16.f32 v13;
	v13 =	vunpack.i.u.bf16.f32 v14;
	v7 =	vshra.s32 v1, $0x1;
	v15 =	vld.idx.msk [tilespmem:v15+s6+$0x0], $0xffff  }
0x1ae: {  	v2 =	vadd.f32 v3, v2;
	v3 =	vmul.f32 v23, v24;
	v28 =	vld.idx.msk [tilespmem:v16+s6+$0x0], $0xffff;
	v16 =	vmul.f32 $5.000000000e-01, v1;
	[tilespmem:s22+$0x20] =	vst v0;
	s22 =	smov.u32 s23;
	s23 =	smov.u32 s25  }
0x1af: {  	v7 =	vsub.s32 $0x5F3759DF, v7;
	v0 =	vunpack.i.u.bf16.f32 v11;
	v11 =	vunpack.i.l.bf16.f32 v14;
	v24 =	vld.idx.msk [tilespmem:v17+s6+$0x0], $0xffff;
	[tilespmem:s22+$0x10] =	vst v22  }
0x1b0: {  	v14 =	vmul.f32 v23, v3;
	v17 =	vshra.s32 v5, $0x1;
	v29 =	vld.idx.msk [tilespmem:v8+s6+$0x0], $0xffff;
	v8 =	vshra.s32 v2, $0x1  }
0x1b1: {  	v3 =	vadd.f32 v27, v0;
	v0 =	vadd.f32 v11, v13;
	v11 =	vsub.s32 $0x5F3759DF, v17;
	v22 =	vld [tilespmem:s26+$0xFFFFFF90]  }
0x1b2: {  	v13 =	vsub.f32 $1.500000000e+00, v14;
	v14 =	vmul.f32 $5.000000000e-01, v5;
	v27 =	vld.idx.msk [tilespmem:v6+s6+$0x0], $0xffff;
	v6 =	vmul.f32 $5.000000000e-01, v2  }
0x1b3: {  	v30 =	vmul.f32 v7, v16;
	v17 =	vld.idx.msk [tilespmem:v26+s6+$0x0], $0xffff;
	v26 =	vsub.s32 $0x5F3759DF, v8;
	v8 =	vshra.s32 v0, $0x1  }
0x1b4: {  	v16 =	vshra.s32 v3, $0x1;
	v13 =	vmul.f32 v23, v13;
	v23 =	vmul.f32 $5.000000000e-01, v0;
	v21 =	vld.idx.msk [tilespmem:v21+s6+$0x0], $0xffff  }
0x1b5: {  	v31 =	vmul.f32 $5.000000000e-01, v3;
	v33 =	vmul.f32 v26, v6;
	v6 =	vsub.s32 $0x5F3759DF, v8;
	v20 =	vld.idx.msk [tilespmem:v20+s6+$0x0], $0xffff  }
0x1b6: {  	v14 =	vmul.f32 v11, v14;
	v8 =	vsub.s32 $0x5F3759DF, v16;
	v18 =	vmul.f32 v13, v18;
	v32 =	vld.idx.msk [tilespmem:v32+s6+$0x0], $0xffff  }
0x1b7: {  	v15 =	vsub.bf16 v15, v19;
	v19 =	vmul.f32 v8, v31;
	v13 =	vld.idx.msk [tilespmem:v25+s6+$0x0], $0xffff;
	v25 =	vmul.f32 v26, v33  }
0x1b8: {  	v31 =	vmul.f32 v11, v14;
	v16 =	vld.idx.msk [tilespmem:v10+s6+$0x0], $0xffff;
	[tilespmem:s22+$0xFFFFFFF0] =	vst v18;
	v10 =	vmul.f32 v6, v23  }
0x1b9: {  	v19 =	vmul.f32 v8, v19;
	v18 =	vsub.bf16 v17, v28;
	v17 =	vld.idx.msk [tilespmem:v22+s6+$0x0], $0xffff;
	v25 =	vsub.f32 $1.500000000e+00, v25  }
.Ltmp9:
0x1ba: {  	v21 =	vsub.bf16 v27, v21;
	v22 =	vmul.bf16 v15, v15;
	v14 =	vld.idx.msk [tilespmem:v12+s6+$0x0], $0xffff;
	v12 =	vmul.f32 v7, v30;
	(pc) =	sbr.rel @p2 .LBB2_14-.Ltmp9, $4  }
0x1bb: {  	v15 =	vsub.f32 $1.500000000e+00, v19;
	v27 =	vmul.bf16 v18, v18;
	v20 =	vsub.bf16 v20, v29  }
0x1bc: {  	v23 =	vsub.bf16 v24, v32;
	v18 =	vmul.f32 v26, v25;
	v12 =	vsub.f32 $1.500000000e+00, v12  }
0x1bd: {  	v21 =	vmul.bf16 v21, v21;
	v25 =	vmul.f32 v6, v10;
	v24 =	vunpack.i.u.bf16.f32 v27;
	v19 =	vld.idx.msk [tilespmem:v9+s6+$0x0], $0xffff  }
0x1be: {  	s26 =	sadd.s32 $0x100, s26;
	v26 =	vsub.f32 $1.500000000e+00, v31;
	v27 =	vunpack.i.l.bf16.f32 v27;
	v9 =	vunpack.i.l.bf16.f32 v22  }
0x1bf: {  	v10 =	vadd.f32 v27, v24  }
0x1c0: {  	v23 =	vmul.bf16 v23, v23;
	v54 =	vsub.f32 $1.500000000e+00, v25;
	v22 =	vunpack.i.u.bf16.f32 v22  }
0x1c1: {  	v55 =	vunpack.i.u.bf16.f32 v21;
	v7 =	vmul.f32 v7, v12;
	v62 =	vmul.bf16 v20, v20  }
0x1c2: {  	v16 =	vsub.bf16 v17, v16;
	v4 =	vsub.bf16 v13, v4;
	v2 =	vmul.f32 v18, v2  }
0x1c3: {  	v28 =	vunpack.i.l.bf16.f32 v21;
	v8 =	vmul.f32 v8, v15;
	v11 =	vmul.f32 v11, v26  }
0x1c4: {  	v9 =	vadd.f32 v9, v22;
	v17 =	vadd.f32 v28, v55;
	v56 =	vshra.s32 v10, $0x1  }
0x1c5: {  	v57 =	vmul.f32 $5.000000000e-01, v10;
	v60 =	vunpack.i.l.bf16.f32 v23;
	v1 =	vmul.f32 v7, v1  }
0x1c6: {  	v30 =	vunpack.i.u.bf16.f32 v23;
	v31 =	vunpack.i.u.bf16.f32 v62;
	v3 =	vmul.f32 v8, v3  }
0x1c7: {  	v32 =	vmul.bf16 v16, v16;
	v33 =	vunpack.i.l.bf16.f32 v62;
	v4 =	vmul.bf16 v4, v4  }
0x1c8: {  	v6 =	vmul.f32 v6, v54;
	v5 =	vmul.f32 v11, v5;
	v58 =	vsub.s32 $0x5F3759DF, v56  }
0x1c9: {  	v59 =	vmul.f32 $5.000000000e-01, v9;
	v63 =	vshra.s32 v9, $0x1;
	v14 =	vsub.bf16 v14, v19  }
0x1ca: {  	v35 =	vmul.f32 $5.000000000e-01, v17;
	v11 =	vadd.f32 v33, v31;
	v37 =	vshra.s32 v17, $0x1  }
0x1cb: {  	v15 =	vadd.f32 v60, v30;
	v61 =	vmul.f32 v58, v57;
	v27 =	vsub.s32 $0x5F3759DF, v63  }
0x1cc: {  	v16 =	vunpack.i.l.bf16.f32 v32;
	v36 =	vunpack.i.u.bf16.f32 v4;
	v0 =	vmul.f32 v6, v0  }
0x1cd: {  	v4 =	vunpack.i.l.bf16.f32 v4;
	v8 =	vunpack.i.u.bf16.f32 v32;
	v29 =	vmul.f32 v27, v59  }
0x1ce: {  	v14 =	vmul.bf16 v14, v14;
	v38 =	vshra.s32 v11, $0x1;
	v4 =	vadd.f32 v4, v36  }
0x1cf: {  	v40 =	vmul.f32 $5.000000000e-01, v11;
	v42 =	vshra.s32 v15, $0x1;
	v8 =	vadd.f32 v16, v8  }
0x1d0: {  	v44 =	vmul.f32 $5.000000000e-01, v15;
	v7 =	vmul.f32 v58, v61;
	v6 =	vsub.s32 $0x5F3759DF, v38  }
0x1d1: {  	v43 =	vsub.s32 $0x5F3759DF, v42;
	v18 =	vmul.f32 v27, v29;
	v39 =	vunpack.i.u.bf16.f32 v14  }
0x1d2: {  	v41 =	vshra.s32 v4, $0x1;
	v45 =	vmul.f32 $5.000000000e-01, v4;
	v16 =	vmul.f32 v43, v44  }
0x1d3: {  	v47 =	vshra.s32 v8, $0x1;
	v49 =	vmul.f32 $5.000000000e-01, v8;
	v34 =	vsub.f32 $1.500000000e+00, v18  }
0x1d4: {  	v7 =	vsub.f32 $1.500000000e+00, v7;
	v19 =	vsub.s32 $0x5F3759DF, v41;
	v18 =	vmul.f32 v6, v40  }
0x1d5: {  	v51 =	vsub.s32 $0x5F3759DF, v47;
	v50 =	vmul.f32 v19, v45;
	v12 =	vmul.f32 v27, v34  }
0x1d6: {  	v14 =	vunpack.i.l.bf16.f32 v14;
	v16 =	vmul.f32 v43, v16;
	v53 =	vmul.f32 v51, v49  }
0x1d7: {  	v7 =	vmul.f32 v58, v7;
	v9 =	vmul.f32 v12, v9;
	v12 =	vadd.f32 v14, v39  }
0x1d8: {  	v13 =	vsub.s32 $0x5F3759DF, v37;
	v18 =	vmul.f32 v6, v18;
	v54 =	vmul.f32 v19, v50  }
0x1d9: {  	[tilespmem:s22+$0xFFFFFFE0] =	vst v2;
	v16 =	vsub.f32 $1.500000000e+00, v16;
	v46 =	vshra.s32 v12, $0x1;
	v48 =	vmul.f32 $5.000000000e-01, v12  }
0x1da: {  	[tilespmem:s22+$0x0] =	vst v1;
	v7 =	vmul.f32 v7, v10;
	v10 =	vmul.f32 v13, v35;
	v52 =	vsub.s32 $0x5F3759DF, v46  }
0x1db: {  	[tilespmem:s22+$0xFFFFFFD0] =	vst v3;
	v57 =	vmul.f32 v51, v53;
	v58 =	vsub.f32 $1.500000000e+00, v18;
	v55 =	vmul.f32 v52, v48  }
0x1dc: {  	[tilespmem:s22+$0x30] =	vst v5;
	v2 =	vsub.f32 $1.500000000e+00, v54;
	v59 =	vmul.f32 v43, v16;
	v10 =	vmul.f32 v13, v10  }
0x1dd: {  	[tilespmem:s22+$0x20] =	vst v0;
	v61 =	vsub.f32 $1.500000000e+00, v57;
	v6 =	vmul.f32 v6, v58;
	v5 =	vmul.f32 v52, v55  }
0x1de: {  	[tilespmem:s23+$0xFFFFFFC0] =	vst v7;
	v2 =	vmul.f32 v19, v2;
	v7 =	vmul.f32 v59, v15;
	v10 =	vsub.f32 $1.500000000e+00, v10  }
0x1df: {  	[tilespmem:s23+$0x10] =	vst v9;
	v3 =	vmul.f32 v51, v61;
	v62 =	vmul.f32 v6, v11;
	v5 =	vsub.f32 $1.500000000e+00, v5  }
0x1e0: {  	[tilespmem:s23+$0x30] =	vst v7;
	v2 =	vmul.f32 v2, v4;
	v56 =	vmul.f32 v13, v10  }
0x1e1: {  	v63 =	vmul.f32 v3, v8;
	[tilespmem:s23+$0x0] =	vst v62;
	v1 =	vmul.f32 v52, v5  }
.Ltmp10:
0x1e2: {  	[tilespmem:s23+$0xFFFFFFE0] =	vst v2;
	v60 =	vmul.f32 v56, v17;
	(pc) =	sbr.rel .LBB2_16-.Ltmp10, $4  }
0x1e3: {  	[tilespmem:s23+$0xFFFFFFD0] =	vst v63;
	v1 =	vmul.f32 v1, v12  }
0x1e4: {  	[tilespmem:s23+$0xFFFFFFF0] =	vst v60  }
0x1e5: {  	s22 =	simm.s32 $0x3;
	[tilespmem:s23+$0x20] =	vst v1;
	s23 =	simm.s32 $0x4  }
0x1e6: {  	[hbm4b:s10+s6] =	stream.linear.scatter [tilespmem:s16], [sflag:$0x3], $0xC80, $0x38;
	[tilespmem:$0x1D200] =	vst v63  }
.LBB2_17:
0x1e7: {  	_ =	sfence.sel $0x180000  }
0x1e8: {  	[bflag:$0x0] =	sbarrier.arrive $0xFFFF  }
0x1e9: {  	p0 =	sne.s32 s0, $0x0;
	_ =	strace $0x90000047  }
0x1ea: {  	s0 =	sadd.s32 @!p0 $0x100000, s2;
	[bflag:$0x2] =	sbarrier.arrive $0xFFFF  }
0x1eb: {  	[sflag:s0] =	ssyncadd.tile.s32 @!p0 $0x1;
	_ =	shalt  }
.Lfunc_end2:
_tile_overlayer_lowered:
.L_overlay_start_2:
0x1ec: {  	(tag) =	ssettag $0x2  }
0x1ed: {  	s0 =	rddreg [dreg:$0x0];
	s2 =	stileid.u32  }
0x1ee: {  	s1 =	rddreg [dreg:$0x1];
	p0 =	sne.s32 s2, $0x0  }
0x1ef: {  	s3 =	rddreg [dreg:$0x2];
	[bflag:$0x3] =	sbarrier.arrive $0xFFFF;
	s2 =	simm.s32 @!p0 $0x1C06  }
0x1f0: {  	[timem:s3], [sflag:s2] =	dma.local @!p0 [hbm:s0], s1  }
0x1f1: {  	s0 =	simm.s32 @!p0 $0x6  }
0x1f2: {  	_ =	swait.ge @!p0 [sflag:s0], s1  }
0x1f3: {  	s1 =	ssub.s32 @!p0 $0x0, s1;
	[sflag:s0] =	ssyncset.done @!p0 $0x0  }
0x1f4: {  	[sflag:s0] =	ssyncadd.s32 @!p0 s1  }
0x1f5: {  	[bflag:$0x3] =	sbarrier.arrive $0xFFFF  }
0x1f6: {  	_ =	shalt  }

</sc_bundles>
